<compile_context>
chip_gen: v7x
topology: tpu7x:2x2x1
jax: 0.10.2.dev20260603
libtpu: 0.0.44.dev20260713+nightly
codegen_flags: <defaults>
</compile_context>

<pallas_src>
import functools

import jax
import jax.numpy as jnp
from jax import lax
from jax.experimental import pallas as pl
from jax.experimental.pallas import tpu as pltpu
from jax.experimental.pallas import tpu_sc as plsc

NC, NS = 2, 16
NW = NC * NS
CHUNK = 64
D = 128
DA = 144
BLK = 640
K0, K1 = 212, 104
KH = max(K0, K1) // 2


def _sc_pass_body(stripe, tbl, gidx, sidx, zeros, out, gv, sv, vals0, vals1,
                  acc, sem):
    cid = lax.axis_index("c")
    sid = lax.axis_index("s")
    wid = cid * NS + sid
    n_acc = acc.shape[0]
    kr = jnp.where(cid == 0, K0 // 2, K1 // 2)
    kq = jnp.where(cid == 0, K0 // 4, K1 // 4)
    pltpu.sync_copy(zeros.at[pl.ds(sid * stripe, stripe)],
                    acc.at[pl.ds(sid * stripe, stripe)])
    plsc.subcore_barrier()

    for r in range(2):
        pltpu.sync_copy(gidx.at[wid].at[pl.ds(r * kr, KH)], gv)
        pltpu.sync_copy(sidx.at[wid].at[pl.ds(r * kr, KH)], sv)
        pltpu.async_copy(tbl.at[gv.at[0]], vals0, sem)

        def step(i, carry):
            j = 2 * i
            pltpu.make_async_copy(tbl.at[gv.at[j]], vals0, sem).wait()
            pltpu.async_copy(tbl.at[gv.at[j + 1]], vals1, sem)
            pltpu.sync_copy(vals0, acc.at[sv.at[j]], add=True)
            pltpu.make_async_copy(tbl.at[gv.at[j + 1]], vals1, sem).wait()

            @pl.when(j + 2 < kr)
            def _():
                pltpu.async_copy(tbl.at[gv.at[j + 2]], vals0, sem)

            pltpu.sync_copy(vals1, acc.at[sv.at[j + 1]], add=True)
            return carry

        lax.fori_loop(0, kq, step, 0)

    plsc.subcore_barrier()
    pltpu.sync_copy(acc.at[pl.ds(sid * stripe, stripe)],
                    out.at[pl.ds(cid * n_acc + sid * stripe, stripe)])


def _make_sc_pass(n_acc):
    stripe = n_acc // NS
    mesh = plsc.VectorSubcoreMesh(core_axis_name="c", subcore_axis_name="s",
                                  num_cores=NC, num_subcores=NS)
    return pl.kernel(
        functools.partial(_sc_pass_body, stripe),
        out_type=jax.ShapeDtypeStruct((NC * n_acc, DA), jnp.float32),
        mesh=mesh,
        scratch_types=[
            pltpu.VMEM((KH, CHUNK), jnp.int32),
            pltpu.VMEM((KH, CHUNK), jnp.int32),
            pltpu.VMEM((CHUNK, DA), jnp.float32),
            pltpu.VMEM((CHUNK, DA), jnp.float32),
            pltpu.VMEM_SHARED((n_acc, DA), jnp.float32),
            pltpu.SemaphoreType.DMA,
        ],
        compiler_params=pltpu.CompilerParams(use_tc_tiling_on_sc=False),
    )


def _ones_col(rows):
    return (lax.broadcasted_iota(jnp.int32, (rows, DA - D), 1) == 0).astype(jnp.float32)


def _k1_body(x_ref, w_ref, o_ref):
    m = jnp.dot(x_ref[...], w_ref[...], preferred_element_type=jnp.float32)
    o_ref[...] = jnp.concatenate([m, _ones_col(m.shape[0])], axis=1)


def _k2_body(acc_ref, w_ref, o_ref):
    p = acc_ref[0] + acc_ref[1]
    ef = p[:, :D] / jnp.maximum(p[:, D:D + 1], 1.0)
    ep = jnp.dot(ef, w_ref[...], preferred_element_type=jnp.float32)
    o_ref[...] = jnp.concatenate([ep, _ones_col(ep.shape[0])], axis=1)


def _k3_body(xa_ref, acc_ref, wu_ref, b_ref, o_ref):
    p = acc_ref[0] + acc_ref[1]
    nagg = p[:, :D] / jnp.maximum(p[:, D:D + 1], 1.0)
    h = (jnp.dot(xa_ref[:, :D], wu_ref[:D], preferred_element_type=jnp.float32)
         + jnp.dot(nagg, wu_ref[D:], preferred_element_type=jnp.float32)
         + b_ref[...])
    o_ref[...] = jnp.maximum(h, 0.0)


def _split_edges(idx, n, e):
    e0 = NS * K0 * CHUNK
    e1 = NS * K1 * CHUNK
    flat = jnp.concatenate([idx, jnp.full((e0 + e1 - e,), n, jnp.int32)])
    part0 = flat[:e0].reshape(NS, K0, CHUNK)
    part0 = jnp.pad(part0, ((0, 0), (0, max(K0, K1) - K0), (0, 0)),
                    constant_values=n)
    part1 = flat[e0:].reshape(NS, K1, CHUNK)
    part1 = jnp.pad(part1, ((0, 0), (0, max(K0, K1) - K1), (0, 0)),
                    constant_values=n)
    return jnp.concatenate([part0, part1], axis=0)


def kernel(x, edge_index, W_v, W_e, W_upd, b_upd):
    n = x.shape[0]
    e = edge_index.shape[1]
    n_pad = ((n + 1 + BLK - 1) // BLK) * BLK
    n_acc = ((n + 1 + NS - 1) // NS) * NS

    row_p = _split_edges(edge_index[0], n, e)
    col_p = _split_edges(edge_index[1], n, e)

    x_pad = jnp.zeros((n_pad, D), jnp.float32).at[:n].set(x)
    zeros = jnp.zeros((n_acc, DA), jnp.float32)

    grid = n_pad // BLK
    full = lambda shape: pl.BlockSpec(shape, lambda i: (0,) * len(shape))

    x_self_aug = pl.pallas_call(
        _k1_body,
        grid=(grid,),
        in_specs=[pl.BlockSpec((BLK, D), lambda i: (i, 0)), full((D, D))],
        out_specs=pl.BlockSpec((BLK, DA), lambda i: (i, 0)),
        out_shape=jax.ShapeDtypeStruct((n_pad, DA), jnp.float32),
    )(x_pad, W_v)

    sc_pass = _make_sc_pass(n_acc)
    acc_a = sc_pass(x_self_aug, row_p, col_p, zeros).reshape(NC, n_acc, DA)

    e_proj_aug = pl.pallas_call(
        _k2_body,
        grid=(grid,),
        in_specs=[pl.BlockSpec((NC, BLK, DA), lambda i: (0, i, 0)), full((D, D))],
        out_specs=pl.BlockSpec((BLK, DA), lambda i: (i, 0)),
        out_shape=jax.ShapeDtypeStruct((n_pad, DA), jnp.float32),
    )(acc_a, W_e)

    acc_b = sc_pass(e_proj_aug, col_p, row_p, zeros).reshape(NC, n_acc, DA)

    out = pl.pallas_call(
        _k3_body,
        grid=(grid,),
        in_specs=[
            pl.BlockSpec((BLK, DA), lambda i: (i, 0)),
            pl.BlockSpec((NC, BLK, DA), lambda i: (0, i, 0)),
            full((2 * D, D)),
            full((1, D)),
        ],
        out_specs=pl.BlockSpec((BLK, D), lambda i: (i, 0)),
        out_shape=jax.ShapeDtypeStruct((n_pad, D), jnp.float32),
    )(x_self_aug, acc_b, W_upd, b_upd.reshape(1, D))

    return out[:n]

# --- scband reference (transcript-rebuilt; emitter-appended) ---
"""Pipeline reference for scband-uni-sageconv-48550310314283 (READ-ONLY COPY).

The authoritative reference and input builder live on the scoring server;
editing this copy changes nothing except your own understanding.
"""

import jax, jax.numpy as jnp
import numpy as np

N = 10000
E = 320000
D_IN = 128
D_OUT = 128


def _mean_reduce(vals, index, K):
    sums = jax.ops.segment_sum(vals, index, num_segments=K)
    cnt = jax.ops.segment_sum(jnp.ones((vals.shape[0], 1), vals.dtype), index, num_segments=K)
    cnt = jnp.clip(cnt, 1.0, None)
    return sums / cnt


def setup_inputs(seed: int = 0) -> dict:
    key = jax.random.key(seed)
    k1, k2, k3, k4, k5, k6 = jax.random.split(key, 6)
    x = jax.random.normal(k1, (N, D_IN), dtype=jnp.float32)
    edge_index = jax.random.randint(k2, (2, E), 0, N).astype(jnp.int32)
    # learned parameters (kaiming-ish scaling)
    W_v = jax.random.normal(k3, (D_IN, D_OUT), dtype=jnp.float32) * (1.0 / np.sqrt(D_IN))
    W_e = jax.random.normal(k4, (D_OUT, D_OUT), dtype=jnp.float32) * (1.0 / np.sqrt(D_OUT))
    W_upd = jax.random.normal(k5, (2 * D_OUT, D_OUT), dtype=jnp.float32) * (1.0 / np.sqrt(2 * D_OUT))
    b_upd = jax.random.normal(k6, (D_OUT,), dtype=jnp.float32) * 0.01
    return {"x": x, "edge_index": edge_index, "W_v": W_v, "W_e": W_e, "W_upd": W_upd, "b_upd": b_upd}


def reference(x, edge_index, W_v, W_e, W_upd, b_upd):
    row = edge_index[0]
    col = edge_index[1]
    n = x.shape[0]
    x_self = x @ W_v  # lin_v, no bias
    col = col - jnp.min(col)
    M = n
    # vertex -> hyperedge aggregation (mean)
    e_feat = _mean_reduce(x_self[row], col, M)
    e_proj = e_feat @ W_e  # lin_e, no bias
    # hyperedge -> vertex aggregation (mean)
    n_agg = _mean_reduce(e_proj[col], row, n)
    out = jnp.concatenate([x_self, n_agg], axis=-1)
    out = jax.nn.relu(out @ W_upd + b_upd)
    # dropout p=0.0 -> identity
    return out

if __name__ == "__main__":
    import jax
    _d = setup_inputs()
    print(jax.jit(kernel)(*tuple(_d.values())))

</pallas_src>

<mosaic_0001>
#map = affine_map<(d0, d1) -> (0, 0)>
#map1 = affine_map<(d0, d1) -> (0, 0, 0)>
module attributes {stable_mosaic.version = 14 : i64} {
  func.func @_sc_pass_body(%arg0: i32, %arg1: i32, %arg2: memref<10240x144xf32, #tpu.memory_space<hbm>>, %arg3: memref<32x212x64xi32, #tpu.memory_space<hbm>>, %arg4: memref<32x212x64xi32, #tpu.memory_space<hbm>>, %arg5: memref<10016x144xf32, #tpu.memory_space<hbm>>, %arg6: memref<20032x144xf32, #tpu.memory_space<hbm>>, %arg7: memref<106x64xi32, #tpu.memory_space<vmem>>, %arg8: memref<106x64xi32, #tpu.memory_space<vmem>>, %arg9: memref<64x144xf32, #tpu.memory_space<vmem>>, %arg10: memref<64x144xf32, #tpu.memory_space<vmem>>, %arg11: memref<10016x144xf32, #tpu.memory_space<vmem_shared>>, %arg12: memref<!tpu.dma_semaphore, #tpu.memory_space<semaphore_mem>>) attributes {dimension_semantics = [#tpu.dimension_semantics<core_parallel>, #tpu.dimension_semantics<subcore_parallel>], iteration_bounds = array<i64: 2, 16>, scalar_prefetch = 0 : i64, scratch_operands = 6 : i64, tpu.core_type = #tpu.core_type<sc_vector_subcore>, window_params = [{transform_indices = #map}, {transform_indices = #map1}, {transform_indices = #map1}, {transform_indices = #map}, {transform_indices = #map}]} {
    %mul3A = arith.constant 16 : i32
    %mul3A_0 = arith.muli %arg0, %mul3A : i32
    %add3A = arith.addi %mul3A_0, %arg1 : i32
    %eq3A = arith.constant 0 : i32
    %eq3A_1 = arith.cmpi eq, %arg0, %eq3A : i32
    %jit3A = arith.constant 106 : i32
    %jit3A_2 = arith.constant 52 : i32
    %select_n3A = arith.select %eq3A_1, %jit3A, %jit3A_2 : i32
    %eq3A_3 = arith.constant 0 : i32
    %eq3A_4 = arith.cmpi eq, %arg0, %eq3A_3 : i32
    %jit3A_5 = arith.constant 53 : i32
    %jit3A_6 = arith.constant 26 : i32
    %select_n3A_7 = arith.select %eq3A_4, %jit3A_5, %jit3A_6 : i32
    %mul3A_8 = arith.constant 626 : i32
    %mul3A_9 = arith.muli %arg1, %mul3A_8 : i32
    %mul3A_10 = arith.constant 626 : i32
    %mul3A_11 = arith.muli %arg1, %mul3A_10 : i32
    "tpu.region"() ({
      %run_scoped3A = tpu.sem_alloc : memref<!tpu.dma_semaphore, #tpu.memory_space<semaphore_mem>>
      %dma_start3A_60 = arith.constant 0 : i32
      %dma_start3A_61 = tpu.memref_slice %arg11[%mul3A_11, %dma_start3A_60] : memref<10016x144xf32, #tpu.memory_space<vmem_shared>> -> memref<626x144xf32, #tpu.memory_space<vmem_shared>>
      %dma_start3A_62 = arith.constant 0 : i32
      %dma_start3A_63 = tpu.memref_slice %arg5[%mul3A_9, %dma_start3A_62] : memref<10016x144xf32, #tpu.memory_space<hbm>> -> memref<626x144xf32, #tpu.memory_space<hbm>>
      tpu.enqueue_dma source(%dma_start3A_63 : memref<626x144xf32, #tpu.memory_space<hbm>>) target(%dma_start3A_61 : memref<626x144xf32, #tpu.memory_space<vmem_shared>>) target_semaphore(%run_scoped3A : memref<!tpu.dma_semaphore, #tpu.memory_space<semaphore_mem>>)
      %dma_wait3A = arith.constant 0 : i32
      %dma_wait3A_64 = tpu.memref_slice %arg11[%mul3A_11, %dma_wait3A] : memref<10016x144xf32, #tpu.memory_space<vmem_shared>> -> memref<626x144xf32, #tpu.memory_space<vmem_shared>>
      %dma_wait3A_65 = arith.constant 0 : i32
      %dma_wait3A_66 = tpu.memref_slice %arg5[%mul3A_9, %dma_wait3A_65] : memref<10016x144xf32, #tpu.memory_space<hbm>> -> memref<626x144xf32, #tpu.memory_space<hbm>>
      tpu.wait_dma2 semaphore(%run_scoped3A : memref<!tpu.dma_semaphore, #tpu.memory_space<semaphore_mem>>) src(%dma_wait3A_66 : memref<626x144xf32, #tpu.memory_space<hbm>>) dst(%dma_wait3A_64 : memref<626x144xf32, #tpu.memory_space<vmem_shared>>)
      tpu.yield
    }) : () -> ()
    %barrier3A = arith.constant 0 : index
    tpu.barrier barrier_id(%barrier3A)
    %mul3A_12 = arith.constant 0 : i32
    %mul3A_13 = arith.muli %mul3A_12, %select_n3A : i32
    "tpu.region"() ({
      %run_scoped3A = tpu.sem_alloc : memref<!tpu.dma_semaphore, #tpu.memory_space<semaphore_mem>>
      %dma_start3A_60 = arith.constant 0 : i32
      %dma_start3A_61 = arith.constant 0 : i32
      %dma_start3A_62 = tpu.memref_slice %arg3[%add3A, %dma_start3A_60, %dma_start3A_61] : memref<32x212x64xi32, #tpu.memory_space<hbm>> -> memref<1x212x64xi32, #tpu.memory_space<hbm>>
      %dma_start3A_63 = tpu.memref_squeeze %dma_start3A_62 : memref<1x212x64xi32, #tpu.memory_space<hbm>> -> memref<212x64xi32, #tpu.memory_space<hbm>>
      %dma_start3A_64 = arith.constant 0 : i32
      %dma_start3A_65 = tpu.memref_slice %dma_start3A_63[%mul3A_13, %dma_start3A_64] : memref<212x64xi32, #tpu.memory_space<hbm>> -> memref<106x64xi32, #tpu.memory_space<hbm>>
      %dma_start3A_66 = arith.constant 0 : i32
      %dma_start3A_67 = arith.constant 0 : i32
      %dma_start3A_68 = tpu.memref_slice %arg3[%add3A, %dma_start3A_66, %dma_start3A_67] : memref<32x212x64xi32, #tpu.memory_space<hbm>> -> memref<1x212x64xi32, #tpu.memory_space<hbm>>
      %dma_start3A_69 = tpu.memref_squeeze %dma_start3A_68 : memref<1x212x64xi32, #tpu.memory_space<hbm>> -> memref<212x64xi32, #tpu.memory_space<hbm>>
      %dma_start3A_70 = arith.constant 0 : i32
      %dma_start3A_71 = tpu.memref_slice %dma_start3A_69[%mul3A_13, %dma_start3A_70] : memref<212x64xi32, #tpu.memory_space<hbm>> -> memref<106x64xi32, #tpu.memory_space<hbm>>
      tpu.enqueue_dma source(%dma_start3A_71 : memref<106x64xi32, #tpu.memory_space<hbm>>) target(%arg7 : memref<106x64xi32, #tpu.memory_space<vmem>>) target_semaphore(%run_scoped3A : memref<!tpu.dma_semaphore, #tpu.memory_space<semaphore_mem>>)
      %dma_wait3A = arith.constant 0 : i32
      %dma_wait3A_72 = arith.constant 0 : i32
      %dma_wait3A_73 = tpu.memref_slice %arg3[%add3A, %dma_wait3A, %dma_wait3A_72] : memref<32x212x64xi32, #tpu.memory_space<hbm>> -> memref<1x212x64xi32, #tpu.memory_space<hbm>>
      %dma_wait3A_74 = tpu.memref_squeeze %dma_wait3A_73 : memref<1x212x64xi32, #tpu.memory_space<hbm>> -> memref<212x64xi32, #tpu.memory_space<hbm>>
      %dma_wait3A_75 = arith.constant 0 : i32
      %dma_wait3A_76 = tpu.memref_slice %dma_wait3A_74[%mul3A_13, %dma_wait3A_75] : memref<212x64xi32, #tpu.memory_space<hbm>> -> memref<106x64xi32, #tpu.memory_space<hbm>>
      %dma_wait3A_77 = arith.constant 0 : i32
      %dma_wait3A_78 = arith.constant 0 : i32
      %dma_wait3A_79 = tpu.memref_slice %arg3[%add3A, %dma_wait3A_77, %dma_wait3A_78] : memref<32x212x64xi32, #tpu.memory_space<hbm>> -> memref<1x212x64xi32, #tpu.memory_space<hbm>>
      %dma_wait3A_80 = tpu.memref_squeeze %dma_wait3A_79 : memref<1x212x64xi32, #tpu.memory_space<hbm>> -> memref<212x64xi32, #tpu.memory_space<hbm>>
      %dma_wait3A_81 = arith.constant 0 : i32
      %dma_wait3A_82 = tpu.memref_slice %dma_wait3A_80[%mul3A_13, %dma_wait3A_81] : memref<212x64xi32, #tpu.memory_space<hbm>> -> memref<106x64xi32, #tpu.memory_space<hbm>>
      tpu.wait_dma2 semaphore(%run_scoped3A : memref<!tpu.dma_semaphore, #tpu.memory_space<semaphore_mem>>) src(%dma_wait3A_82 : memref<106x64xi32, #tpu.memory_space<hbm>>) dst(%arg7 : memref<106x64xi32, #tpu.memory_space<vmem>>)
      tpu.yield
    }) : () -> ()
    %mul3A_14 = arith.constant 0 : i32
    %mul3A_15 = arith.muli %mul3A_14, %select_n3A : i32
    "tpu.region"() ({
      %run_scoped3A = tpu.sem_alloc : memref<!tpu.dma_semaphore, #tpu.memory_space<semaphore_mem>>
      %dma_start3A_60 = arith.constant 0 : i32
      %dma_start3A_61 = arith.constant 0 : i32
      %dma_start3A_62 = tpu.memref_slice %arg4[%add3A, %dma_start3A_60, %dma_start3A_61] : memref<32x212x64xi32, #tpu.memory_space<hbm>> -> memref<1x212x64xi32, #tpu.memory_space<hbm>>
      %dma_start3A_63 = tpu.memref_squeeze %dma_start3A_62 : memref<1x212x64xi32, #tpu.memory_space<hbm>> -> memref<212x64xi32, #tpu.memory_space<hbm>>
      %dma_start3A_64 = arith.constant 0 : i32
      %dma_start3A_65 = tpu.memref_slice %dma_start3A_63[%mul3A_15, %dma_start3A_64] : memref<212x64xi32, #tpu.memory_space<hbm>> -> memref<106x64xi32, #tpu.memory_space<hbm>>
      %dma_start3A_66 = arith.constant 0 : i32
      %dma_start3A_67 = arith.constant 0 : i32
      %dma_start3A_68 = tpu.memref_slice %arg4[%add3A, %dma_start3A_66, %dma_start3A_67] : memref<32x212x64xi32, #tpu.memory_space<hbm>> -> memref<1x212x64xi32, #tpu.memory_space<hbm>>
      %dma_start3A_69 = tpu.memref_squeeze %dma_start3A_68 : memref<1x212x64xi32, #tpu.memory_space<hbm>> -> memref<212x64xi32, #tpu.memory_space<hbm>>
      %dma_start3A_70 = arith.constant 0 : i32
      %dma_start3A_71 = tpu.memref_slice %dma_start3A_69[%mul3A_15, %dma_start3A_70] : memref<212x64xi32, #tpu.memory_space<hbm>> -> memref<106x64xi32, #tpu.memory_space<hbm>>
      tpu.enqueue_dma source(%dma_start3A_71 : memref<106x64xi32, #tpu.memory_space<hbm>>) target(%arg8 : memref<106x64xi32, #tpu.memory_space<vmem>>) target_semaphore(%run_scoped3A : memref<!tpu.dma_semaphore, #tpu.memory_space<semaphore_mem>>)
      %dma_wait3A = arith.constant 0 : i32
      %dma_wait3A_72 = arith.constant 0 : i32
      %dma_wait3A_73 = tpu.memref_slice %arg4[%add3A, %dma_wait3A, %dma_wait3A_72] : memref<32x212x64xi32, #tpu.memory_space<hbm>> -> memref<1x212x64xi32, #tpu.memory_space<hbm>>
      %dma_wait3A_74 = tpu.memref_squeeze %dma_wait3A_73 : memref<1x212x64xi32, #tpu.memory_space<hbm>> -> memref<212x64xi32, #tpu.memory_space<hbm>>
      %dma_wait3A_75 = arith.constant 0 : i32
      %dma_wait3A_76 = tpu.memref_slice %dma_wait3A_74[%mul3A_15, %dma_wait3A_75] : memref<212x64xi32, #tpu.memory_space<hbm>> -> memref<106x64xi32, #tpu.memory_space<hbm>>
      %dma_wait3A_77 = arith.constant 0 : i32
      %dma_wait3A_78 = arith.constant 0 : i32
      %dma_wait3A_79 = tpu.memref_slice %arg4[%add3A, %dma_wait3A_77, %dma_wait3A_78] : memref<32x212x64xi32, #tpu.memory_space<hbm>> -> memref<1x212x64xi32, #tpu.memory_space<hbm>>
      %dma_wait3A_80 = tpu.memref_squeeze %dma_wait3A_79 : memref<1x212x64xi32, #tpu.memory_space<hbm>> -> memref<212x64xi32, #tpu.memory_space<hbm>>
      %dma_wait3A_81 = arith.constant 0 : i32
      %dma_wait3A_82 = tpu.memref_slice %dma_wait3A_80[%mul3A_15, %dma_wait3A_81] : memref<212x64xi32, #tpu.memory_space<hbm>> -> memref<106x64xi32, #tpu.memory_space<hbm>>
      tpu.wait_dma2 semaphore(%run_scoped3A : memref<!tpu.dma_semaphore, #tpu.memory_space<semaphore_mem>>) src(%dma_wait3A_82 : memref<106x64xi32, #tpu.memory_space<hbm>>) dst(%arg8 : memref<106x64xi32, #tpu.memory_space<vmem>>)
      tpu.yield
    }) : () -> ()
    %dma_start3A = arith.constant 0 : i32
    %dma_start3A_16 = arith.constant 0 : i32
    %dma_start3A_17 = tpu.memref_slice %arg7[%dma_start3A, %dma_start3A_16] : memref<106x64xi32, #tpu.memory_space<vmem>> -> memref<1x64xi32, #tpu.memory_space<vmem>>
    %dma_start3A_18 = tpu.memref_squeeze %dma_start3A_17 : memref<1x64xi32, #tpu.memory_space<vmem>> -> memref<64xi32, #tpu.memory_space<vmem>>
    %dma_start3A_19 = arith.constant 0 : i32
    %dma_start3A_20 = arith.constant 0 : i32
    %dma_start3A_21 = tpu.memref_slice %arg2[%dma_start3A_19, %dma_start3A_20] : memref<10240x144xf32, #tpu.memory_space<hbm>> -> memref<10240x144xf32, #tpu.memory_space<hbm>>
    tpu.enqueue_indirect_dma source(%dma_start3A_21 : memref<10240x144xf32, #tpu.memory_space<hbm>>) target(%arg9 : memref<64x144xf32, #tpu.memory_space<vmem>>) offsets(%dma_start3A_18 : memref<64xi32, #tpu.memory_space<vmem>>) semaphore(%arg12 : memref<!tpu.dma_semaphore, #tpu.memory_space<semaphore_mem>>)
    %while3A = arith.constant 0 : i32
    %while3A_22 = arith.constant 0 : i32
    %while3A_23 = arith.subi %select_n3A_7, %while3A_22 : i32
    %while3A_24 = arith.addi %while3A_22, %while3A_23 : i32
    %while3A_25 = arith.constant 1 : i32
    %while3A_26 = arith.divsi %while3A_23, %while3A_25 : i32
    %while3A_27 = arith.muli %while3A_26, %while3A_25 : i32
    %while3A_28 = arith.addi %while3A_22, %while3A_27 : i32
    %while3A_29 = arith.constant 1 : i32
    scf.for %while3A_60 = %while3A_22 to %while3A_28 step %while3A_29  : i32 {
      %mul3A_61 = arith.constant 2 : i32
      %mul3A_62 = arith.muli %mul3A_61, %while3A_60 : i32
      %dma_wait3A = arith.constant 0 : i32
      %dma_wait3A_63 = tpu.memref_slice %arg7[%mul3A_62, %dma_wait3A] : memref<106x64xi32, #tpu.memory_space<vmem>> -> memref<1x64xi32, #tpu.memory_space<vmem>>
      %dma_wait3A_64 = tpu.memref_squeeze %dma_wait3A_63 : memref<1x64xi32, #tpu.memory_space<vmem>> -> memref<64xi32, #tpu.memory_space<vmem>>
      %dma_wait3A_65 = arith.constant 0 : i32
      %dma_wait3A_66 = arith.constant 0 : i32
      %dma_wait3A_67 = tpu.memref_slice %arg2[%dma_wait3A_65, %dma_wait3A_66] : memref<10240x144xf32, #tpu.memory_space<hbm>> -> memref<10240x144xf32, #tpu.memory_space<hbm>>
      tpu.wait_indirect_dma semaphore(%arg12 : memref<!tpu.dma_semaphore, #tpu.memory_space<semaphore_mem>>) src(%dma_wait3A_67 : memref<10240x144xf32, #tpu.memory_space<hbm>>) dst(%arg9 : memref<64x144xf32, #tpu.memory_space<vmem>>)
      %add3A_68 = arith.constant 1 : i32
      %add3A_69 = arith.addi %mul3A_62, %add3A_68 : i32
      %dma_start3A_70 = arith.constant 0 : i32
      %dma_start3A_71 = tpu.memref_slice %arg7[%add3A_69, %dma_start3A_70] : memref<106x64xi32, #tpu.memory_space<vmem>> -> memref<1x64xi32, #tpu.memory_space<vmem>>
      %dma_start3A_72 = tpu.memref_squeeze %dma_start3A_71 : memref<1x64xi32, #tpu.memory_space<vmem>> -> memref<64xi32, #tpu.memory_space<vmem>>
      %dma_start3A_73 = arith.constant 0 : i32
      %dma_start3A_74 = arith.constant 0 : i32
      %dma_start3A_75 = tpu.memref_slice %arg2[%dma_start3A_73, %dma_start3A_74] : memref<10240x144xf32, #tpu.memory_space<hbm>> -> memref<10240x144xf32, #tpu.memory_space<hbm>>
      tpu.enqueue_indirect_dma source(%dma_start3A_75 : memref<10240x144xf32, #tpu.memory_space<hbm>>) target(%arg10 : memref<64x144xf32, #tpu.memory_space<vmem>>) offsets(%dma_start3A_72 : memref<64xi32, #tpu.memory_space<vmem>>) semaphore(%arg12 : memref<!tpu.dma_semaphore, #tpu.memory_space<semaphore_mem>>)
      "tpu.region"() ({
        %run_scoped3A = tpu.sem_alloc : memref<!tpu.dma_semaphore, #tpu.memory_space<semaphore_mem>>
        %dma_start3A_89 = arith.constant 0 : i32
        %dma_start3A_90 = tpu.memref_slice %arg8[%mul3A_62, %dma_start3A_89] : memref<106x64xi32, #tpu.memory_space<vmem>> -> memref<1x64xi32, #tpu.memory_space<vmem>>
        %dma_start3A_91 = tpu.memref_squeeze %dma_start3A_90 : memref<1x64xi32, #tpu.memory_space<vmem>> -> memref<64xi32, #tpu.memory_space<vmem>>
        %dma_start3A_92 = arith.constant 0 : i32
        %dma_start3A_93 = arith.constant 0 : i32
        %dma_start3A_94 = tpu.memref_slice %arg11[%dma_start3A_92, %dma_start3A_93] : memref<10016x144xf32, #tpu.memory_space<vmem_shared>> -> memref<10016x144xf32, #tpu.memory_space<vmem_shared>>
        tpu.enqueue_indirect_dma source(%arg9 : memref<64x144xf32, #tpu.memory_space<vmem>>) target(%dma_start3A_94 : memref<10016x144xf32, #tpu.memory_space<vmem_shared>>) offsets(%dma_start3A_91 : memref<64xi32, #tpu.memory_space<vmem>>) semaphore(%run_scoped3A : memref<!tpu.dma_semaphore, #tpu.memory_space<semaphore_mem>>) {add = true}
        %dma_wait3A_95 = arith.constant 0 : i32
        %dma_wait3A_96 = tpu.memref_slice %arg8[%mul3A_62, %dma_wait3A_95] : memref<106x64xi32, #tpu.memory_space<vmem>> -> memref<1x64xi32, #tpu.memory_space<vmem>>
        %dma_wait3A_97 = tpu.memref_squeeze %dma_wait3A_96 : memref<1x64xi32, #tpu.memory_space<vmem>> -> memref<64xi32, #tpu.memory_space<vmem>>
        %dma_wait3A_98 = arith.constant 0 : i32
        %dma_wait3A_99 = arith.constant 0 : i32
        %dma_wait3A_100 = tpu.memref_slice %arg11[%dma_wait3A_98, %dma_wait3A_99] : memref<10016x144xf32, #tpu.memory_space<vmem_shared>> -> memref<10016x144xf32, #tpu.memory_space<vmem_shared>>
        tpu.wait_indirect_dma semaphore(%run_scoped3A : memref<!tpu.dma_semaphore, #tpu.memory_space<semaphore_mem>>) src(%arg9 : memref<64x144xf32, #tpu.memory_space<vmem>>) dst(%dma_wait3A_100 : memref<10016x144xf32, #tpu.memory_space<vmem_shared>>)
        tpu.yield
      }) : () -> ()
      %add3A_76 = arith.constant 1 : i32
      %add3A_77 = arith.addi %mul3A_62, %add3A_76 : i32
      %dma_wait3A_78 = arith.constant 0 : i32
      %dma_wait3A_79 = tpu.memref_slice %arg7[%add3A_77, %dma_wait3A_78] : memref<106x64xi32, #tpu.memory_space<vmem>> -> memref<1x64xi32, #tpu.memory_space<vmem>>
      %dma_wait3A_80 = tpu.memref_squeeze %dma_wait3A_79 : memref<1x64xi32, #tpu.memory_space<vmem>> -> memref<64xi32, #tpu.memory_space<vmem>>
      %dma_wait3A_81 = arith.constant 0 : i32
      %dma_wait3A_82 = arith.constant 0 : i32
      %dma_wait3A_83 = tpu.memref_slice %arg2[%dma_wait3A_81, %dma_wait3A_82] : memref<10240x144xf32, #tpu.memory_space<hbm>> -> memref<10240x144xf32, #tpu.memory_space<hbm>>
      tpu.wait_indirect_dma semaphore(%arg12 : memref<!tpu.dma_semaphore, #tpu.memory_space<semaphore_mem>>) src(%dma_wait3A_83 : memref<10240x144xf32, #tpu.memory_space<hbm>>) dst(%arg10 : memref<64x144xf32, #tpu.memory_space<vmem>>)
      %add3A_84 = arith.constant 2 : i32
      %add3A_85 = arith.addi %mul3A_62, %add3A_84 : i32
      %lt3A = arith.cmpi slt, %add3A_85, %select_n3A : i32
      %convert_element_type3A = arith.extui %lt3A : i1 to i32
      %cond3A = arith.constant 0 : i32
      %cond3A_86 = arith.cmpi ne, %convert_element_type3A, %cond3A : i32
      scf.if %cond3A_86 {
        %add3A_89 = arith.constant 2 : i32
        %add3A_90 = arith.addi %mul3A_62, %add3A_89 : i32
        %dma_start3A_91 = arith.constant 0 : i32
        %dma_start3A_92 = tpu.memref_slice %arg7[%add3A_90, %dma_start3A_91] : memref<106x64xi32, #tpu.memory_space<vmem>> -> memref<1x64xi32, #tpu.memory_space<vmem>>
        %dma_start3A_93 = tpu.memref_squeeze %dma_start3A_92 : memref<1x64xi32, #tpu.memory_space<vmem>> -> memref<64xi32, #tpu.memory_space<vmem>>
        %dma_start3A_94 = arith.constant 0 : i32
        %dma_start3A_95 = arith.constant 0 : i32
        %dma_start3A_96 = tpu.memref_slice %arg2[%dma_start3A_94, %dma_start3A_95] : memref<10240x144xf32, #tpu.memory_space<hbm>> -> memref<10240x144xf32, #tpu.memory_space<hbm>>
        tpu.enqueue_indirect_dma source(%dma_start3A_96 : memref<10240x144xf32, #tpu.memory_space<hbm>>) target(%arg9 : memref<64x144xf32, #tpu.memory_space<vmem>>) offsets(%dma_start3A_93 : memref<64xi32, #tpu.memory_space<vmem>>) semaphore(%arg12 : memref<!tpu.dma_semaphore, #tpu.memory_space<semaphore_mem>>)
      } else {
      }
      %add3A_87 = arith.constant 1 : i32
      %add3A_88 = arith.addi %mul3A_62, %add3A_87 : i32
      "tpu.region"() ({
        %run_scoped3A = tpu.sem_alloc : memref<!tpu.dma_semaphore, #tpu.memory_space<semaphore_mem>>
        %dma_start3A_89 = arith.constant 0 : i32
        %dma_start3A_90 = tpu.memref_slice %arg8[%add3A_88, %dma_start3A_89] : memref<106x64xi32, #tpu.memory_space<vmem>> -> memref<1x64xi32, #tpu.memory_space<vmem>>
        %dma_start3A_91 = tpu.memref_squeeze %dma_start3A_90 : memref<1x64xi32, #tpu.memory_space<vmem>> -> memref<64xi32, #tpu.memory_space<vmem>>
        %dma_start3A_92 = arith.constant 0 : i32
        %dma_start3A_93 = arith.constant 0 : i32
        %dma_start3A_94 = tpu.memref_slice %arg11[%dma_start3A_92, %dma_start3A_93] : memref<10016x144xf32, #tpu.memory_space<vmem_shared>> -> memref<10016x144xf32, #tpu.memory_space<vmem_shared>>
        tpu.enqueue_indirect_dma source(%arg10 : memref<64x144xf32, #tpu.memory_space<vmem>>) target(%dma_start3A_94 : memref<10016x144xf32, #tpu.memory_space<vmem_shared>>) offsets(%dma_start3A_91 : memref<64xi32, #tpu.memory_space<vmem>>) semaphore(%run_scoped3A : memref<!tpu.dma_semaphore, #tpu.memory_space<semaphore_mem>>) {add = true}
        %dma_wait3A_95 = arith.constant 0 : i32
        %dma_wait3A_96 = tpu.memref_slice %arg8[%add3A_88, %dma_wait3A_95] : memref<106x64xi32, #tpu.memory_space<vmem>> -> memref<1x64xi32, #tpu.memory_space<vmem>>
        %dma_wait3A_97 = tpu.memref_squeeze %dma_wait3A_96 : memref<1x64xi32, #tpu.memory_space<vmem>> -> memref<64xi32, #tpu.memory_space<vmem>>
        %dma_wait3A_98 = arith.constant 0 : i32
        %dma_wait3A_99 = arith.constant 0 : i32
        %dma_wait3A_100 = tpu.memref_slice %arg11[%dma_wait3A_98, %dma_wait3A_99] : memref<10016x144xf32, #tpu.memory_space<vmem_shared>> -> memref<10016x144xf32, #tpu.memory_space<vmem_shared>>
        tpu.wait_indirect_dma semaphore(%run_scoped3A : memref<!tpu.dma_semaphore, #tpu.memory_space<semaphore_mem>>) src(%arg10 : memref<64x144xf32, #tpu.memory_space<vmem>>) dst(%dma_wait3A_100 : memref<10016x144xf32, #tpu.memory_space<vmem_shared>>)
        tpu.yield
      }) : () -> ()
    }
    %while3A_30 = arith.constant 1 : i32
    scf.for %while3A_60 = %while3A_28 to %while3A_24 step %while3A_30  : i32 {
      %mul3A_61 = arith.constant 2 : i32
      %mul3A_62 = arith.muli %mul3A_61, %while3A_60 : i32
      %dma_wait3A = arith.constant 0 : i32
      %dma_wait3A_63 = tpu.memref_slice %arg7[%mul3A_62, %dma_wait3A] : memref<106x64xi32, #tpu.memory_space<vmem>> -> memref<1x64xi32, #tpu.memory_space<vmem>>
      %dma_wait3A_64 = tpu.memref_squeeze %dma_wait3A_63 : memref<1x64xi32, #tpu.memory_space<vmem>> -> memref<64xi32, #tpu.memory_space<vmem>>
      %dma_wait3A_65 = arith.constant 0 : i32
      %dma_wait3A_66 = arith.constant 0 : i32
      %dma_wait3A_67 = tpu.memref_slice %arg2[%dma_wait3A_65, %dma_wait3A_66] : memref<10240x144xf32, #tpu.memory_space<hbm>> -> memref<10240x144xf32, #tpu.memory_space<hbm>>
      tpu.wait_indirect_dma semaphore(%arg12 : memref<!tpu.dma_semaphore, #tpu.memory_space<semaphore_mem>>) src(%dma_wait3A_67 : memref<10240x144xf32, #tpu.memory_space<hbm>>) dst(%arg9 : memref<64x144xf32, #tpu.memory_space<vmem>>)
      %add3A_68 = arith.constant 1 : i32
      %add3A_69 = arith.addi %mul3A_62, %add3A_68 : i32
      %dma_start3A_70 = arith.constant 0 : i32
      %dma_start3A_71 = tpu.memref_slice %arg7[%add3A_69, %dma_start3A_70] : memref<106x64xi32, #tpu.memory_space<vmem>> -> memref<1x64xi32, #tpu.memory_space<vmem>>
      %dma_start3A_72 = tpu.memref_squeeze %dma_start3A_71 : memref<1x64xi32, #tpu.memory_space<vmem>> -> memref<64xi32, #tpu.memory_space<vmem>>
      %dma_start3A_73 = arith.constant 0 : i32
      %dma_start3A_74 = arith.constant 0 : i32
      %dma_start3A_75 = tpu.memref_slice %arg2[%dma_start3A_73, %dma_start3A_74] : memref<10240x144xf32, #tpu.memory_space<hbm>> -> memref<10240x144xf32, #tpu.memory_space<hbm>>
      tpu.enqueue_indirect_dma source(%dma_start3A_75 : memref<10240x144xf32, #tpu.memory_space<hbm>>) target(%arg10 : memref<64x144xf32, #tpu.memory_space<vmem>>) offsets(%dma_start3A_72 : memref<64xi32, #tpu.memory_space<vmem>>) semaphore(%arg12 : memref<!tpu.dma_semaphore, #tpu.memory_space<semaphore_mem>>)
      "tpu.region"() ({
        %run_scoped3A = tpu.sem_alloc : memref<!tpu.dma_semaphore, #tpu.memory_space<semaphore_mem>>
        %dma_start3A_89 = arith.constant 0 : i32
        %dma_start3A_90 = tpu.memref_slice %arg8[%mul3A_62, %dma_start3A_89] : memref<106x64xi32, #tpu.memory_space<vmem>> -> memref<1x64xi32, #tpu.memory_space<vmem>>
        %dma_start3A_91 = tpu.memref_squeeze %dma_start3A_90 : memref<1x64xi32, #tpu.memory_space<vmem>> -> memref<64xi32, #tpu.memory_space<vmem>>
        %dma_start3A_92 = arith.constant 0 : i32
        %dma_start3A_93 = arith.constant 0 : i32
        %dma_start3A_94 = tpu.memref_slice %arg11[%dma_start3A_92, %dma_start3A_93] : memref<10016x144xf32, #tpu.memory_space<vmem_shared>> -> memref<10016x144xf32, #tpu.memory_space<vmem_shared>>
        tpu.enqueue_indirect_dma source(%arg9 : memref<64x144xf32, #tpu.memory_space<vmem>>) target(%dma_start3A_94 : memref<10016x144xf32, #tpu.memory_space<vmem_shared>>) offsets(%dma_start3A_91 : memref<64xi32, #tpu.memory_space<vmem>>) semaphore(%run_scoped3A : memref<!tpu.dma_semaphore, #tpu.memory_space<semaphore_mem>>) {add = true}
        %dma_wait3A_95 = arith.constant 0 : i32
        %dma_wait3A_96 = tpu.memref_slice %arg8[%mul3A_62, %dma_wait3A_95] : memref<106x64xi32, #tpu.memory_space<vmem>> -> memref<1x64xi32, #tpu.memory_space<vmem>>
        %dma_wait3A_97 = tpu.memref_squeeze %dma_wait3A_96 : memref<1x64xi32, #tpu.memory_space<vmem>> -> memref<64xi32, #tpu.memory_space<vmem>>
        %dma_wait3A_98 = arith.constant 0 : i32
        %dma_wait3A_99 = arith.constant 0 : i32
        %dma_wait3A_100 = tpu.memref_slice %arg11[%dma_wait3A_98, %dma_wait3A_99] : memref<10016x144xf32, #tpu.memory_space<vmem_shared>> -> memref<10016x144xf32, #tpu.memory_space<vmem_shared>>
        tpu.wait_indirect_dma semaphore(%run_scoped3A : memref<!tpu.dma_semaphore, #tpu.memory_space<semaphore_mem>>) src(%arg9 : memref<64x144xf32, #tpu.memory_space<vmem>>) dst(%dma_wait3A_100 : memref<10016x144xf32, #tpu.memory_space<vmem_shared>>)
        tpu.yield
      }) : () -> ()
      %add3A_76 = arith.constant 1 : i32
      %add3A_77 = arith.addi %mul3A_62, %add3A_76 : i32
      %dma_wait3A_78 = arith.constant 0 : i32
      %dma_wait3A_79 = tpu.memref_slice %arg7[%add3A_77, %dma_wait3A_78] : memref<106x64xi32, #tpu.memory_space<vmem>> -> memref<1x64xi32, #tpu.memory_space<vmem>>
      %dma_wait3A_80 = tpu.memref_squeeze %dma_wait3A_79 : memref<1x64xi32, #tpu.memory_space<vmem>> -> memref<64xi32, #tpu.memory_space<vmem>>
      %dma_wait3A_81 = arith.constant 0 : i32
      %dma_wait3A_82 = arith.constant 0 : i32
      %dma_wait3A_83 = tpu.memref_slice %arg2[%dma_wait3A_81, %dma_wait3A_82] : memref<10240x144xf32, #tpu.memory_space<hbm>> -> memref<10240x144xf32, #tpu.memory_space<hbm>>
      tpu.wait_indirect_dma semaphore(%arg12 : memref<!tpu.dma_semaphore, #tpu.memory_space<semaphore_mem>>) src(%dma_wait3A_83 : memref<10240x144xf32, #tpu.memory_space<hbm>>) dst(%arg10 : memref<64x144xf32, #tpu.memory_space<vmem>>)
      %add3A_84 = arith.constant 2 : i32
      %add3A_85 = arith.addi %mul3A_62, %add3A_84 : i32
      %lt3A = arith.cmpi slt, %add3A_85, %select_n3A : i32
      %convert_element_type3A = arith.extui %lt3A : i1 to i32
      %cond3A = arith.constant 0 : i32
      %cond3A_86 = arith.cmpi ne, %convert_element_type3A, %cond3A : i32
      scf.if %cond3A_86 {
        %add3A_89 = arith.constant 2 : i32
        %add3A_90 = arith.addi %mul3A_62, %add3A_89 : i32
        %dma_start3A_91 = arith.constant 0 : i32
        %dma_start3A_92 = tpu.memref_slice %arg7[%add3A_90, %dma_start3A_91] : memref<106x64xi32, #tpu.memory_space<vmem>> -> memref<1x64xi32, #tpu.memory_space<vmem>>
        %dma_start3A_93 = tpu.memref_squeeze %dma_start3A_92 : memref<1x64xi32, #tpu.memory_space<vmem>> -> memref<64xi32, #tpu.memory_space<vmem>>
        %dma_start3A_94 = arith.constant 0 : i32
        %dma_start3A_95 = arith.constant 0 : i32
        %dma_start3A_96 = tpu.memref_slice %arg2[%dma_start3A_94, %dma_start3A_95] : memref<10240x144xf32, #tpu.memory_space<hbm>> -> memref<10240x144xf32, #tpu.memory_space<hbm>>
        tpu.enqueue_indirect_dma source(%dma_start3A_96 : memref<10240x144xf32, #tpu.memory_space<hbm>>) target(%arg9 : memref<64x144xf32, #tpu.memory_space<vmem>>) offsets(%dma_start3A_93 : memref<64xi32, #tpu.memory_space<vmem>>) semaphore(%arg12 : memref<!tpu.dma_semaphore, #tpu.memory_space<semaphore_mem>>)
      } else {
      }
      %add3A_87 = arith.constant 1 : i32
      %add3A_88 = arith.addi %mul3A_62, %add3A_87 : i32
      "tpu.region"() ({
        %run_scoped3A = tpu.sem_alloc : memref<!tpu.dma_semaphore, #tpu.memory_space<semaphore_mem>>
        %dma_start3A_89 = arith.constant 0 : i32
        %dma_start3A_90 = tpu.memref_slice %arg8[%add3A_88, %dma_start3A_89] : memref<106x64xi32, #tpu.memory_space<vmem>> -> memref<1x64xi32, #tpu.memory_space<vmem>>
        %dma_start3A_91 = tpu.memref_squeeze %dma_start3A_90 : memref<1x64xi32, #tpu.memory_space<vmem>> -> memref<64xi32, #tpu.memory_space<vmem>>
        %dma_start3A_92 = arith.constant 0 : i32
        %dma_start3A_93 = arith.constant 0 : i32
        %dma_start3A_94 = tpu.memref_slice %arg11[%dma_start3A_92, %dma_start3A_93] : memref<10016x144xf32, #tpu.memory_space<vmem_shared>> -> memref<10016x144xf32, #tpu.memory_space<vmem_shared>>
        tpu.enqueue_indirect_dma source(%arg10 : memref<64x144xf32, #tpu.memory_space<vmem>>) target(%dma_start3A_94 : memref<10016x144xf32, #tpu.memory_space<vmem_shared>>) offsets(%dma_start3A_91 : memref<64xi32, #tpu.memory_space<vmem>>) semaphore(%run_scoped3A : memref<!tpu.dma_semaphore, #tpu.memory_space<semaphore_mem>>) {add = true}
        %dma_wait3A_95 = arith.constant 0 : i32
        %dma_wait3A_96 = tpu.memref_slice %arg8[%add3A_88, %dma_wait3A_95] : memref<106x64xi32, #tpu.memory_space<vmem>> -> memref<1x64xi32, #tpu.memory_space<vmem>>
        %dma_wait3A_97 = tpu.memref_squeeze %dma_wait3A_96 : memref<1x64xi32, #tpu.memory_space<vmem>> -> memref<64xi32, #tpu.memory_space<vmem>>
        %dma_wait3A_98 = arith.constant 0 : i32
        %dma_wait3A_99 = arith.constant 0 : i32
        %dma_wait3A_100 = tpu.memref_slice %arg11[%dma_wait3A_98, %dma_wait3A_99] : memref<10016x144xf32, #tpu.memory_space<vmem_shared>> -> memref<10016x144xf32, #tpu.memory_space<vmem_shared>>
        tpu.wait_indirect_dma semaphore(%run_scoped3A : memref<!tpu.dma_semaphore, #tpu.memory_space<semaphore_mem>>) src(%arg10 : memref<64x144xf32, #tpu.memory_space<vmem>>) dst(%dma_wait3A_100 : memref<10016x144xf32, #tpu.memory_space<vmem_shared>>)
        tpu.yield
      }) : () -> ()
    }
    %mul3A_31 = arith.constant 1 : i32
    %mul3A_32 = arith.muli %mul3A_31, %select_n3A : i32
    "tpu.region"() ({
      %run_scoped3A = tpu.sem_alloc : memref<!tpu.dma_semaphore, #tpu.memory_space<semaphore_mem>>
      %dma_start3A_60 = arith.constant 0 : i32
      %dma_start3A_61 = arith.constant 0 : i32
      %dma_start3A_62 = tpu.memref_slice %arg3[%add3A, %dma_start3A_60, %dma_start3A_61] : memref<32x212x64xi32, #tpu.memory_space<hbm>> -> memref<1x212x64xi32, #tpu.memory_space<hbm>>
      %dma_start3A_63 = tpu.memref_squeeze %dma_start3A_62 : memref<1x212x64xi32, #tpu.memory_space<hbm>> -> memref<212x64xi32, #tpu.memory_space<hbm>>
      %dma_start3A_64 = arith.constant 0 : i32
      %dma_start3A_65 = tpu.memref_slice %dma_start3A_63[%mul3A_32, %dma_start3A_64] : memref<212x64xi32, #tpu.memory_space<hbm>> -> memref<106x64xi32, #tpu.memory_space<hbm>>
      %dma_start3A_66 = arith.constant 0 : i32
      %dma_start3A_67 = arith.constant 0 : i32
      %dma_start3A_68 = tpu.memref_slice %arg3[%add3A, %dma_start3A_66, %dma_start3A_67] : memref<32x212x64xi32, #tpu.memory_space<hbm>> -> memref<1x212x64xi32, #tpu.memory_space<hbm>>
      %dma_start3A_69 = tpu.memref_squeeze %dma_start3A_68 : memref<1x212x64xi32, #tpu.memory_space<hbm>> -> memref<212x64xi32, #tpu.memory_space<hbm>>
      %dma_start3A_70 = arith.constant 0 : i32
      %dma_start3A_71 = tpu.memref_slice %dma_start3A_69[%mul3A_32, %dma_start3A_70] : memref<212x64xi32, #tpu.memory_space<hbm>> -> memref<106x64xi32, #tpu.memory_space<hbm>>
      tpu.enqueue_dma source(%dma_start3A_71 : memref<106x64xi32, #tpu.memory_space<hbm>>) target(%arg7 : memref<106x64xi32, #tpu.memory_space<vmem>>) target_semaphore(%run_scoped3A : memref<!tpu.dma_semaphore, #tpu.memory_space<semaphore_mem>>)
      %dma_wait3A = arith.constant 0 : i32
      %dma_wait3A_72 = arith.constant 0 : i32
      %dma_wait3A_73 = tpu.memref_slice %arg3[%add3A, %dma_wait3A, %dma_wait3A_72] : memref<32x212x64xi32, #tpu.memory_space<hbm>> -> memref<1x212x64xi32, #tpu.memory_space<hbm>>
      %dma_wait3A_74 = tpu.memref_squeeze %dma_wait3A_73 : memref<1x212x64xi32, #tpu.memory_space<hbm>> -> memref<212x64xi32, #tpu.memory_space<hbm>>
      %dma_wait3A_75 = arith.constant 0 : i32
      %dma_wait3A_76 = tpu.memref_slice %dma_wait3A_74[%mul3A_32, %dma_wait3A_75] : memref<212x64xi32, #tpu.memory_space<hbm>> -> memref<106x64xi32, #tpu.memory_space<hbm>>
      %dma_wait3A_77 = arith.constant 0 : i32
      %dma_wait3A_78 = arith.constant 0 : i32
      %dma_wait3A_79 = tpu.memref_slice %arg3[%add3A, %dma_wait3A_77, %dma_wait3A_78] : memref<32x212x64xi32, #tpu.memory_space<hbm>> -> memref<1x212x64xi32, #tpu.memory_space<hbm>>
      %dma_wait3A_80 = tpu.memref_squeeze %dma_wait3A_79 : memref<1x212x64xi32, #tpu.memory_space<hbm>> -> memref<212x64xi32, #tpu.memory_space<hbm>>
      %dma_wait3A_81 = arith.constant 0 : i32
      %dma_wait3A_82 = tpu.memref_slice %dma_wait3A_80[%mul3A_32, %dma_wait3A_81] : memref<212x64xi32, #tpu.memory_space<hbm>> -> memref<106x64xi32, #tpu.memory_space<hbm>>
      tpu.wait_dma2 semaphore(%run_scoped3A : memref<!tpu.dma_semaphore, #tpu.memory_space<semaphore_mem>>) src(%dma_wait3A_82 : memref<106x64xi32, #tpu.memory_space<hbm>>) dst(%arg7 : memref<106x64xi32, #tpu.memory_space<vmem>>)
      tpu.yield
    }) : () -> ()
    %mul3A_33 = arith.constant 1 : i32
    %mul3A_34 = arith.muli %mul3A_33, %select_n3A : i32
    "tpu.region"() ({
      %run_scoped3A = tpu.sem_alloc : memref<!tpu.dma_semaphore, #tpu.memory_space<semaphore_mem>>
      %dma_start3A_60 = arith.constant 0 : i32
      %dma_start3A_61 = arith.constant 0 : i32
      %dma_start3A_62 = tpu.memref_slice %arg4[%add3A, %dma_start3A_60, %dma_start3A_61] : memref<32x212x64xi32, #tpu.memory_space<hbm>> -> memref<1x212x64xi32, #tpu.memory_space<hbm>>
      %dma_start3A_63 = tpu.memref_squeeze %dma_start3A_62 : memref<1x212x64xi32, #tpu.memory_space<hbm>> -> memref<212x64xi32, #tpu.memory_space<hbm>>
      %dma_start3A_64 = arith.constant 0 : i32
      %dma_start3A_65 = tpu.memref_slice %dma_start3A_63[%mul3A_34, %dma_start3A_64] : memref<212x64xi32, #tpu.memory_space<hbm>> -> memref<106x64xi32, #tpu.memory_space<hbm>>
      %dma_start3A_66 = arith.constant 0 : i32
      %dma_start3A_67 = arith.constant 0 : i32
      %dma_start3A_68 = tpu.memref_slice %arg4[%add3A, %dma_start3A_66, %dma_start3A_67] : memref<32x212x64xi32, #tpu.memory_space<hbm>> -> memref<1x212x64xi32, #tpu.memory_space<hbm>>
      %dma_start3A_69 = tpu.memref_squeeze %dma_start3A_68 : memref<1x212x64xi32, #tpu.memory_space<hbm>> -> memref<212x64xi32, #tpu.memory_space<hbm>>
      %dma_start3A_70 = arith.constant 0 : i32
      %dma_start3A_71 = tpu.memref_slice %dma_start3A_69[%mul3A_34, %dma_start3A_70] : memref<212x64xi32, #tpu.memory_space<hbm>> -> memref<106x64xi32, #tpu.memory_space<hbm>>
      tpu.enqueue_dma source(%dma_start3A_71 : memref<106x64xi32, #tpu.memory_space<hbm>>) target(%arg8 : memref<106x64xi32, #tpu.memory_space<vmem>>) target_semaphore(%run_scoped3A : memref<!tpu.dma_semaphore, #tpu.memory_space<semaphore_mem>>)
      %dma_wait3A = arith.constant 0 : i32
      %dma_wait3A_72 = arith.constant 0 : i32
      %dma_wait3A_73 = tpu.memref_slice %arg4[%add3A, %dma_wait3A, %dma_wait3A_72] : memref<32x212x64xi32, #tpu.memory_space<hbm>> -> memref<1x212x64xi32, #tpu.memory_space<hbm>>
      %dma_wait3A_74 = tpu.memref_squeeze %dma_wait3A_73 : memref<1x212x64xi32, #tpu.memory_space<hbm>> -> memref<212x64xi32, #tpu.memory_space<hbm>>
      %dma_wait3A_75 = arith.constant 0 : i32
      %dma_wait3A_76 = tpu.memref_slice %dma_wait3A_74[%mul3A_34, %dma_wait3A_75] : memref<212x64xi32, #tpu.memory_space<hbm>> -> memref<106x64xi32, #tpu.memory_space<hbm>>
      %dma_wait3A_77 = arith.constant 0 : i32
      %dma_wait3A_78 = arith.constant 0 : i32
      %dma_wait3A_79 = tpu.memref_slice %arg4[%add3A, %dma_wait3A_77, %dma_wait3A_78] : memref<32x212x64xi32, #tpu.memory_space<hbm>> -> memref<1x212x64xi32, #tpu.memory_space<hbm>>
      %dma_wait3A_80 = tpu.memref_squeeze %dma_wait3A_79 : memref<1x212x64xi32, #tpu.memory_space<hbm>> -> memref<212x64xi32, #tpu.memory_space<hbm>>
      %dma_wait3A_81 = arith.constant 0 : i32
      %dma_wait3A_82 = tpu.memref_slice %dma_wait3A_80[%mul3A_34, %dma_wait3A_81] : memref<212x64xi32, #tpu.memory_space<hbm>> -> memref<106x64xi32, #tpu.memory_space<hbm>>
      tpu.wait_dma2 semaphore(%run_scoped3A : memref<!tpu.dma_semaphore, #tpu.memory_space<semaphore_mem>>) src(%dma_wait3A_82 : memref<106x64xi32, #tpu.memory_space<hbm>>) dst(%arg8 : memref<106x64xi32, #tpu.memory_space<vmem>>)
      tpu.yield
    }) : () -> ()
    %dma_start3A_35 = arith.constant 0 : i32
    %dma_start3A_36 = arith.constant 0 : i32
    %dma_start3A_37 = tpu.memref_slice %arg7[%dma_start3A_35, %dma_start3A_36] : memref<106x64xi32, #tpu.memory_space<vmem>> -> memref<1x64xi32, #tpu.memory_space<vmem>>
    %dma_start3A_38 = tpu.memref_squeeze %dma_start3A_37 : memref<1x64xi32, #tpu.memory_space<vmem>> -> memref<64xi32, #tpu.memory_space<vmem>>
    %dma_start3A_39 = arith.constant 0 : i32
    %dma_start3A_40 = arith.constant 0 : i32
    %dma_start3A_41 = tpu.memref_slice %arg2[%dma_start3A_39, %dma_start3A_40] : memref<10240x144xf32, #tpu.memory_space<hbm>> -> memref<10240x144xf32, #tpu.memory_space<hbm>>
    tpu.enqueue_indirect_dma source(%dma_start3A_41 : memref<10240x144xf32, #tpu.memory_space<hbm>>) target(%arg9 : memref<64x144xf32, #tpu.memory_space<vmem>>) offsets(%dma_start3A_38 : memref<64xi32, #tpu.memory_space<vmem>>) semaphore(%arg12 : memref<!tpu.dma_semaphore, #tpu.memory_space<semaphore_mem>>)
    %while3A_42 = arith.constant 0 : i32
    %while3A_43 = arith.constant 0 : i32
    %while3A_44 = arith.subi %select_n3A_7, %while3A_43 : i32
    %while3A_45 = arith.addi %while3A_43, %while3A_44 : i32
    %while3A_46 = arith.constant 1 : i32
    %while3A_47 = arith.divsi %while3A_44, %while3A_46 : i32
    %while3A_48 = arith.muli %while3A_47, %while3A_46 : i32
    %while3A_49 = arith.addi %while3A_43, %while3A_48 : i32
    %while3A_50 = arith.constant 1 : i32
    scf.for %while3A_60 = %while3A_43 to %while3A_49 step %while3A_50  : i32 {
      %mul3A_61 = arith.constant 2 : i32
      %mul3A_62 = arith.muli %mul3A_61, %while3A_60 : i32
      %dma_wait3A = arith.constant 0 : i32
      %dma_wait3A_63 = tpu.memref_slice %arg7[%mul3A_62, %dma_wait3A] : memref<106x64xi32, #tpu.memory_space<vmem>> -> memref<1x64xi32, #tpu.memory_space<vmem>>
      %dma_wait3A_64 = tpu.memref_squeeze %dma_wait3A_63 : memref<1x64xi32, #tpu.memory_space<vmem>> -> memref<64xi32, #tpu.memory_space<vmem>>
      %dma_wait3A_65 = arith.constant 0 : i32
      %dma_wait3A_66 = arith.constant 0 : i32
      %dma_wait3A_67 = tpu.memref_slice %arg2[%dma_wait3A_65, %dma_wait3A_66] : memref<10240x144xf32, #tpu.memory_space<hbm>> -> memref<10240x144xf32, #tpu.memory_space<hbm>>
      tpu.wait_indirect_dma semaphore(%arg12 : memref<!tpu.dma_semaphore, #tpu.memory_space<semaphore_mem>>) src(%dma_wait3A_67 : memref<10240x144xf32, #tpu.memory_space<hbm>>) dst(%arg9 : memref<64x144xf32, #tpu.memory_space<vmem>>)
      %add3A_68 = arith.constant 1 : i32
      %add3A_69 = arith.addi %mul3A_62, %add3A_68 : i32
      %dma_start3A_70 = arith.constant 0 : i32
      %dma_start3A_71 = tpu.memref_slice %arg7[%add3A_69, %dma_start3A_70] : memref<106x64xi32, #tpu.memory_space<vmem>> -> memref<1x64xi32, #tpu.memory_space<vmem>>
      %dma_start3A_72 = tpu.memref_squeeze %dma_start3A_71 : memref<1x64xi32, #tpu.memory_space<vmem>> -> memref<64xi32, #tpu.memory_space<vmem>>
      %dma_start3A_73 = arith.constant 0 : i32
      %dma_start3A_74 = arith.constant 0 : i32
      %dma_start3A_75 = tpu.memref_slice %arg2[%dma_start3A_73, %dma_start3A_74] : memref<10240x144xf32, #tpu.memory_space<hbm>> -> memref<10240x144xf32, #tpu.memory_space<hbm>>
      tpu.enqueue_indirect_dma source(%dma_start3A_75 : memref<10240x144xf32, #tpu.memory_space<hbm>>) target(%arg10 : memref<64x144xf32, #tpu.memory_space<vmem>>) offsets(%dma_start3A_72 : memref<64xi32, #tpu.memory_space<vmem>>) semaphore(%arg12 : memref<!tpu.dma_semaphore, #tpu.memory_space<semaphore_mem>>)
      "tpu.region"() ({
        %run_scoped3A = tpu.sem_alloc : memref<!tpu.dma_semaphore, #tpu.memory_space<semaphore_mem>>
        %dma_start3A_89 = arith.constant 0 : i32
        %dma_start3A_90 = tpu.memref_slice %arg8[%mul3A_62, %dma_start3A_89] : memref<106x64xi32, #tpu.memory_space<vmem>> -> memref<1x64xi32, #tpu.memory_space<vmem>>
        %dma_start3A_91 = tpu.memref_squeeze %dma_start3A_90 : memref<1x64xi32, #tpu.memory_space<vmem>> -> memref<64xi32, #tpu.memory_space<vmem>>
        %dma_start3A_92 = arith.constant 0 : i32
        %dma_start3A_93 = arith.constant 0 : i32
        %dma_start3A_94 = tpu.memref_slice %arg11[%dma_start3A_92, %dma_start3A_93] : memref<10016x144xf32, #tpu.memory_space<vmem_shared>> -> memref<10016x144xf32, #tpu.memory_space<vmem_shared>>
        tpu.enqueue_indirect_dma source(%arg9 : memref<64x144xf32, #tpu.memory_space<vmem>>) target(%dma_start3A_94 : memref<10016x144xf32, #tpu.memory_space<vmem_shared>>) offsets(%dma_start3A_91 : memref<64xi32, #tpu.memory_space<vmem>>) semaphore(%run_scoped3A : memref<!tpu.dma_semaphore, #tpu.memory_space<semaphore_mem>>) {add = true}
        %dma_wait3A_95 = arith.constant 0 : i32
        %dma_wait3A_96 = tpu.memref_slice %arg8[%mul3A_62, %dma_wait3A_95] : memref<106x64xi32, #tpu.memory_space<vmem>> -> memref<1x64xi32, #tpu.memory_space<vmem>>
        %dma_wait3A_97 = tpu.memref_squeeze %dma_wait3A_96 : memref<1x64xi32, #tpu.memory_space<vmem>> -> memref<64xi32, #tpu.memory_space<vmem>>
        %dma_wait3A_98 = arith.constant 0 : i32
        %dma_wait3A_99 = arith.constant 0 : i32
        %dma_wait3A_100 = tpu.memref_slice %arg11[%dma_wait3A_98, %dma_wait3A_99] : memref<10016x144xf32, #tpu.memory_space<vmem_shared>> -> memref<10016x144xf32, #tpu.memory_space<vmem_shared>>
        tpu.wait_indirect_dma semaphore(%run_scoped3A : memref<!tpu.dma_semaphore, #tpu.memory_space<semaphore_mem>>) src(%arg9 : memref<64x144xf32, #tpu.memory_space<vmem>>) dst(%dma_wait3A_100 : memref<10016x144xf32, #tpu.memory_space<vmem_shared>>)
        tpu.yield
      }) : () -> ()
      %add3A_76 = arith.constant 1 : i32
      %add3A_77 = arith.addi %mul3A_62, %add3A_76 : i32
      %dma_wait3A_78 = arith.constant 0 : i32
      %dma_wait3A_79 = tpu.memref_slice %arg7[%add3A_77, %dma_wait3A_78] : memref<106x64xi32, #tpu.memory_space<vmem>> -> memref<1x64xi32, #tpu.memory_space<vmem>>
      %dma_wait3A_80 = tpu.memref_squeeze %dma_wait3A_79 : memref<1x64xi32, #tpu.memory_space<vmem>> -> memref<64xi32, #tpu.memory_space<vmem>>
      %dma_wait3A_81 = arith.constant 0 : i32
      %dma_wait3A_82 = arith.constant 0 : i32
      %dma_wait3A_83 = tpu.memref_slice %arg2[%dma_wait3A_81, %dma_wait3A_82] : memref<10240x144xf32, #tpu.memory_space<hbm>> -> memref<10240x144xf32, #tpu.memory_space<hbm>>
      tpu.wait_indirect_dma semaphore(%arg12 : memref<!tpu.dma_semaphore, #tpu.memory_space<semaphore_mem>>) src(%dma_wait3A_83 : memref<10240x144xf32, #tpu.memory_space<hbm>>) dst(%arg10 : memref<64x144xf32, #tpu.memory_space<vmem>>)
      %add3A_84 = arith.constant 2 : i32
      %add3A_85 = arith.addi %mul3A_62, %add3A_84 : i32
      %lt3A = arith.cmpi slt, %add3A_85, %select_n3A : i32
      %convert_element_type3A = arith.extui %lt3A : i1 to i32
      %cond3A = arith.constant 0 : i32
      %cond3A_86 = arith.cmpi ne, %convert_element_type3A, %cond3A : i32
      scf.if %cond3A_86 {
        %add3A_89 = arith.constant 2 : i32
        %add3A_90 = arith.addi %mul3A_62, %add3A_89 : i32
        %dma_start3A_91 = arith.constant 0 : i32
        %dma_start3A_92 = tpu.memref_slice %arg7[%add3A_90, %dma_start3A_91] : memref<106x64xi32, #tpu.memory_space<vmem>> -> memref<1x64xi32, #tpu.memory_space<vmem>>
        %dma_start3A_93 = tpu.memref_squeeze %dma_start3A_92 : memref<1x64xi32, #tpu.memory_space<vmem>> -> memref<64xi32, #tpu.memory_space<vmem>>
        %dma_start3A_94 = arith.constant 0 : i32
        %dma_start3A_95 = arith.constant 0 : i32
        %dma_start3A_96 = tpu.memref_slice %arg2[%dma_start3A_94, %dma_start3A_95] : memref<10240x144xf32, #tpu.memory_space<hbm>> -> memref<10240x144xf32, #tpu.memory_space<hbm>>
        tpu.enqueue_indirect_dma source(%dma_start3A_96 : memref<10240x144xf32, #tpu.memory_space<hbm>>) target(%arg9 : memref<64x144xf32, #tpu.memory_space<vmem>>) offsets(%dma_start3A_93 : memref<64xi32, #tpu.memory_space<vmem>>) semaphore(%arg12 : memref<!tpu.dma_semaphore, #tpu.memory_space<semaphore_mem>>)
      } else {
      }
      %add3A_87 = arith.constant 1 : i32
      %add3A_88 = arith.addi %mul3A_62, %add3A_87 : i32
      "tpu.region"() ({
        %run_scoped3A = tpu.sem_alloc : memref<!tpu.dma_semaphore, #tpu.memory_space<semaphore_mem>>
        %dma_start3A_89 = arith.constant 0 : i32
        %dma_start3A_90 = tpu.memref_slice %arg8[%add3A_88, %dma_start3A_89] : memref<106x64xi32, #tpu.memory_space<vmem>> -> memref<1x64xi32, #tpu.memory_space<vmem>>
        %dma_start3A_91 = tpu.memref_squeeze %dma_start3A_90 : memref<1x64xi32, #tpu.memory_space<vmem>> -> memref<64xi32, #tpu.memory_space<vmem>>
        %dma_start3A_92 = arith.constant 0 : i32
        %dma_start3A_93 = arith.constant 0 : i32
        %dma_start3A_94 = tpu.memref_slice %arg11[%dma_start3A_92, %dma_start3A_93] : memref<10016x144xf32, #tpu.memory_space<vmem_shared>> -> memref<10016x144xf32, #tpu.memory_space<vmem_shared>>
        tpu.enqueue_indirect_dma source(%arg10 : memref<64x144xf32, #tpu.memory_space<vmem>>) target(%dma_start3A_94 : memref<10016x144xf32, #tpu.memory_space<vmem_shared>>) offsets(%dma_start3A_91 : memref<64xi32, #tpu.memory_space<vmem>>) semaphore(%run_scoped3A : memref<!tpu.dma_semaphore, #tpu.memory_space<semaphore_mem>>) {add = true}
        %dma_wait3A_95 = arith.constant 0 : i32
        %dma_wait3A_96 = tpu.memref_slice %arg8[%add3A_88, %dma_wait3A_95] : memref<106x64xi32, #tpu.memory_space<vmem>> -> memref<1x64xi32, #tpu.memory_space<vmem>>
        %dma_wait3A_97 = tpu.memref_squeeze %dma_wait3A_96 : memref<1x64xi32, #tpu.memory_space<vmem>> -> memref<64xi32, #tpu.memory_space<vmem>>
        %dma_wait3A_98 = arith.constant 0 : i32
        %dma_wait3A_99 = arith.constant 0 : i32
        %dma_wait3A_100 = tpu.memref_slice %arg11[%dma_wait3A_98, %dma_wait3A_99] : memref<10016x144xf32, #tpu.memory_space<vmem_shared>> -> memref<10016x144xf32, #tpu.memory_space<vmem_shared>>
        tpu.wait_indirect_dma semaphore(%run_scoped3A : memref<!tpu.dma_semaphore, #tpu.memory_space<semaphore_mem>>) src(%arg10 : memref<64x144xf32, #tpu.memory_space<vmem>>) dst(%dma_wait3A_100 : memref<10016x144xf32, #tpu.memory_space<vmem_shared>>)
        tpu.yield
      }) : () -> ()
    }
    %while3A_51 = arith.constant 1 : i32
    scf.for %while3A_60 = %while3A_49 to %while3A_45 step %while3A_51  : i32 {
      %mul3A_61 = arith.constant 2 : i32
      %mul3A_62 = arith.muli %mul3A_61, %while3A_60 : i32
      %dma_wait3A = arith.constant 0 : i32
      %dma_wait3A_63 = tpu.memref_slice %arg7[%mul3A_62, %dma_wait3A] : memref<106x64xi32, #tpu.memory_space<vmem>> -> memref<1x64xi32, #tpu.memory_space<vmem>>
      %dma_wait3A_64 = tpu.memref_squeeze %dma_wait3A_63 : memref<1x64xi32, #tpu.memory_space<vmem>> -> memref<64xi32, #tpu.memory_space<vmem>>
      %dma_wait3A_65 = arith.constant 0 : i32
      %dma_wait3A_66 = arith.constant 0 : i32
      %dma_wait3A_67 = tpu.memref_slice %arg2[%dma_wait3A_65, %dma_wait3A_66] : memref<10240x144xf32, #tpu.memory_space<hbm>> -> memref<10240x144xf32, #tpu.memory_space<hbm>>
      tpu.wait_indirect_dma semaphore(%arg12 : memref<!tpu.dma_semaphore, #tpu.memory_space<semaphore_mem>>) src(%dma_wait3A_67 : memref<10240x144xf32, #tpu.memory_space<hbm>>) dst(%arg9 : memref<64x144xf32, #tpu.memory_space<vmem>>)
      %add3A_68 = arith.constant 1 : i32
      %add3A_69 = arith.addi %mul3A_62, %add3A_68 : i32
      %dma_start3A_70 = arith.constant 0 : i32
      %dma_start3A_71 = tpu.memref_slice %arg7[%add3A_69, %dma_start3A_70] : memref<106x64xi32, #tpu.memory_space<vmem>> -> memref<1x64xi32, #tpu.memory_space<vmem>>
      %dma_start3A_72 = tpu.memref_squeeze %dma_start3A_71 : memref<1x64xi32, #tpu.memory_space<vmem>> -> memref<64xi32, #tpu.memory_space<vmem>>
      %dma_start3A_73 = arith.constant 0 : i32
      %dma_start3A_74 = arith.constant 0 : i32
      %dma_start3A_75 = tpu.memref_slice %arg2[%dma_start3A_73, %dma_start3A_74] : memref<10240x144xf32, #tpu.memory_space<hbm>> -> memref<10240x144xf32, #tpu.memory_space<hbm>>
      tpu.enqueue_indirect_dma source(%dma_start3A_75 : memref<10240x144xf32, #tpu.memory_space<hbm>>) target(%arg10 : memref<64x144xf32, #tpu.memory_space<vmem>>) offsets(%dma_start3A_72 : memref<64xi32, #tpu.memory_space<vmem>>) semaphore(%arg12 : memref<!tpu.dma_semaphore, #tpu.memory_space<semaphore_mem>>)
      "tpu.region"() ({
        %run_scoped3A = tpu.sem_alloc : memref<!tpu.dma_semaphore, #tpu.memory_space<semaphore_mem>>
        %dma_start3A_89 = arith.constant 0 : i32
        %dma_start3A_90 = tpu.memref_slice %arg8[%mul3A_62, %dma_start3A_89] : memref<106x64xi32, #tpu.memory_space<vmem>> -> memref<1x64xi32, #tpu.memory_space<vmem>>
        %dma_start3A_91 = tpu.memref_squeeze %dma_start3A_90 : memref<1x64xi32, #tpu.memory_space<vmem>> -> memref<64xi32, #tpu.memory_space<vmem>>
        %dma_start3A_92 = arith.constant 0 : i32
        %dma_start3A_93 = arith.constant 0 : i32
        %dma_start3A_94 = tpu.memref_slice %arg11[%dma_start3A_92, %dma_start3A_93] : memref<10016x144xf32, #tpu.memory_space<vmem_shared>> -> memref<10016x144xf32, #tpu.memory_space<vmem_shared>>
        tpu.enqueue_indirect_dma source(%arg9 : memref<64x144xf32, #tpu.memory_space<vmem>>) target(%dma_start3A_94 : memref<10016x144xf32, #tpu.memory_space<vmem_shared>>) offsets(%dma_start3A_91 : memref<64xi32, #tpu.memory_space<vmem>>) semaphore(%run_scoped3A : memref<!tpu.dma_semaphore, #tpu.memory_space<semaphore_mem>>) {add = true}
        %dma_wait3A_95 = arith.constant 0 : i32
        %dma_wait3A_96 = tpu.memref_slice %arg8[%mul3A_62, %dma_wait3A_95] : memref<106x64xi32, #tpu.memory_space<vmem>> -> memref<1x64xi32, #tpu.memory_space<vmem>>
        %dma_wait3A_97 = tpu.memref_squeeze %dma_wait3A_96 : memref<1x64xi32, #tpu.memory_space<vmem>> -> memref<64xi32, #tpu.memory_space<vmem>>
        %dma_wait3A_98 = arith.constant 0 : i32
        %dma_wait3A_99 = arith.constant 0 : i32
        %dma_wait3A_100 = tpu.memref_slice %arg11[%dma_wait3A_98, %dma_wait3A_99] : memref<10016x144xf32, #tpu.memory_space<vmem_shared>> -> memref<10016x144xf32, #tpu.memory_space<vmem_shared>>
        tpu.wait_indirect_dma semaphore(%run_scoped3A : memref<!tpu.dma_semaphore, #tpu.memory_space<semaphore_mem>>) src(%arg9 : memref<64x144xf32, #tpu.memory_space<vmem>>) dst(%dma_wait3A_100 : memref<10016x144xf32, #tpu.memory_space<vmem_shared>>)
        tpu.yield
      }) : () -> ()
      %add3A_76 = arith.constant 1 : i32
      %add3A_77 = arith.addi %mul3A_62, %add3A_76 : i32
      %dma_wait3A_78 = arith.constant 0 : i32
      %dma_wait3A_79 = tpu.memref_slice %arg7[%add3A_77, %dma_wait3A_78] : memref<106x64xi32, #tpu.memory_space<vmem>> -> memref<1x64xi32, #tpu.memory_space<vmem>>
      %dma_wait3A_80 = tpu.memref_squeeze %dma_wait3A_79 : memref<1x64xi32, #tpu.memory_space<vmem>> -> memref<64xi32, #tpu.memory_space<vmem>>
      %dma_wait3A_81 = arith.constant 0 : i32
      %dma_wait3A_82 = arith.constant 0 : i32
      %dma_wait3A_83 = tpu.memref_slice %arg2[%dma_wait3A_81, %dma_wait3A_82] : memref<10240x144xf32, #tpu.memory_space<hbm>> -> memref<10240x144xf32, #tpu.memory_space<hbm>>
      tpu.wait_indirect_dma semaphore(%arg12 : memref<!tpu.dma_semaphore, #tpu.memory_space<semaphore_mem>>) src(%dma_wait3A_83 : memref<10240x144xf32, #tpu.memory_space<hbm>>) dst(%arg10 : memref<64x144xf32, #tpu.memory_space<vmem>>)
      %add3A_84 = arith.constant 2 : i32
      %add3A_85 = arith.addi %mul3A_62, %add3A_84 : i32
      %lt3A = arith.cmpi slt, %add3A_85, %select_n3A : i32
      %convert_element_type3A = arith.extui %lt3A : i1 to i32
      %cond3A = arith.constant 0 : i32
      %cond3A_86 = arith.cmpi ne, %convert_element_type3A, %cond3A : i32
      scf.if %cond3A_86 {
        %add3A_89 = arith.constant 2 : i32
        %add3A_90 = arith.addi %mul3A_62, %add3A_89 : i32
        %dma_start3A_91 = arith.constant 0 : i32
        %dma_start3A_92 = tpu.memref_slice %arg7[%add3A_90, %dma_start3A_91] : memref<106x64xi32, #tpu.memory_space<vmem>> -> memref<1x64xi32, #tpu.memory_space<vmem>>
        %dma_start3A_93 = tpu.memref_squeeze %dma_start3A_92 : memref<1x64xi32, #tpu.memory_space<vmem>> -> memref<64xi32, #tpu.memory_space<vmem>>
        %dma_start3A_94 = arith.constant 0 : i32
        %dma_start3A_95 = arith.constant 0 : i32
        %dma_start3A_96 = tpu.memref_slice %arg2[%dma_start3A_94, %dma_start3A_95] : memref<10240x144xf32, #tpu.memory_space<hbm>> -> memref<10240x144xf32, #tpu.memory_space<hbm>>
        tpu.enqueue_indirect_dma source(%dma_start3A_96 : memref<10240x144xf32, #tpu.memory_space<hbm>>) target(%arg9 : memref<64x144xf32, #tpu.memory_space<vmem>>) offsets(%dma_start3A_93 : memref<64xi32, #tpu.memory_space<vmem>>) semaphore(%arg12 : memref<!tpu.dma_semaphore, #tpu.memory_space<semaphore_mem>>)
      } else {
      }
      %add3A_87 = arith.constant 1 : i32
      %add3A_88 = arith.addi %mul3A_62, %add3A_87 : i32
      "tpu.region"() ({
        %run_scoped3A = tpu.sem_alloc : memref<!tpu.dma_semaphore, #tpu.memory_space<semaphore_mem>>
        %dma_start3A_89 = arith.constant 0 : i32
        %dma_start3A_90 = tpu.memref_slice %arg8[%add3A_88, %dma_start3A_89] : memref<106x64xi32, #tpu.memory_space<vmem>> -> memref<1x64xi32, #tpu.memory_space<vmem>>
        %dma_start3A_91 = tpu.memref_squeeze %dma_start3A_90 : memref<1x64xi32, #tpu.memory_space<vmem>> -> memref<64xi32, #tpu.memory_space<vmem>>
        %dma_start3A_92 = arith.constant 0 : i32
        %dma_start3A_93 = arith.constant 0 : i32
        %dma_start3A_94 = tpu.memref_slice %arg11[%dma_start3A_92, %dma_start3A_93] : memref<10016x144xf32, #tpu.memory_space<vmem_shared>> -> memref<10016x144xf32, #tpu.memory_space<vmem_shared>>
        tpu.enqueue_indirect_dma source(%arg10 : memref<64x144xf32, #tpu.memory_space<vmem>>) target(%dma_start3A_94 : memref<10016x144xf32, #tpu.memory_space<vmem_shared>>) offsets(%dma_start3A_91 : memref<64xi32, #tpu.memory_space<vmem>>) semaphore(%run_scoped3A : memref<!tpu.dma_semaphore, #tpu.memory_space<semaphore_mem>>) {add = true}
        %dma_wait3A_95 = arith.constant 0 : i32
        %dma_wait3A_96 = tpu.memref_slice %arg8[%add3A_88, %dma_wait3A_95] : memref<106x64xi32, #tpu.memory_space<vmem>> -> memref<1x64xi32, #tpu.memory_space<vmem>>
        %dma_wait3A_97 = tpu.memref_squeeze %dma_wait3A_96 : memref<1x64xi32, #tpu.memory_space<vmem>> -> memref<64xi32, #tpu.memory_space<vmem>>
        %dma_wait3A_98 = arith.constant 0 : i32
        %dma_wait3A_99 = arith.constant 0 : i32
        %dma_wait3A_100 = tpu.memref_slice %arg11[%dma_wait3A_98, %dma_wait3A_99] : memref<10016x144xf32, #tpu.memory_space<vmem_shared>> -> memref<10016x144xf32, #tpu.memory_space<vmem_shared>>
        tpu.wait_indirect_dma semaphore(%run_scoped3A : memref<!tpu.dma_semaphore, #tpu.memory_space<semaphore_mem>>) src(%arg10 : memref<64x144xf32, #tpu.memory_space<vmem>>) dst(%dma_wait3A_100 : memref<10016x144xf32, #tpu.memory_space<vmem_shared>>)
        tpu.yield
      }) : () -> ()
    }
    %barrier3A_52 = arith.constant 0 : index
    tpu.barrier barrier_id(%barrier3A_52)
    %mul3A_53 = arith.constant 626 : i32
    %mul3A_54 = arith.muli %arg1, %mul3A_53 : i32
    %mul3A_55 = arith.constant 10016 : i32
    %mul3A_56 = arith.muli %arg0, %mul3A_55 : i32
    %mul3A_57 = arith.constant 626 : i32
    %mul3A_58 = arith.muli %arg1, %mul3A_57 : i32
    %add3A_59 = arith.addi %mul3A_56, %mul3A_58 : i32
    "tpu.region"() ({
      %run_scoped3A = tpu.sem_alloc : memref<!tpu.dma_semaphore, #tpu.memory_space<semaphore_mem>>
      %dma_start3A_60 = arith.constant 0 : i32
      %dma_start3A_61 = tpu.memref_slice %arg6[%add3A_59, %dma_start3A_60] : memref<20032x144xf32, #tpu.memory_space<hbm>> -> memref<626x144xf32, #tpu.memory_space<hbm>>
      %dma_start3A_62 = arith.constant 0 : i32
      %dma_start3A_63 = tpu.memref_slice %arg11[%mul3A_54, %dma_start3A_62] : memref<10016x144xf32, #tpu.memory_space<vmem_shared>> -> memref<626x144xf32, #tpu.memory_space<vmem_shared>>
      tpu.enqueue_dma source(%dma_start3A_63 : memref<626x144xf32, #tpu.memory_space<vmem_shared>>) target(%dma_start3A_61 : memref<626x144xf32, #tpu.memory_space<hbm>>) target_semaphore(%run_scoped3A : memref<!tpu.dma_semaphore, #tpu.memory_space<semaphore_mem>>)
      %dma_wait3A = arith.constant 0 : i32
      %dma_wait3A_64 = tpu.memref_slice %arg6[%add3A_59, %dma_wait3A] : memref<20032x144xf32, #tpu.memory_space<hbm>> -> memref<626x144xf32, #tpu.memory_space<hbm>>
      %dma_wait3A_65 = arith.constant 0 : i32
      %dma_wait3A_66 = tpu.memref_slice %arg11[%mul3A_54, %dma_wait3A_65] : memref<10016x144xf32, #tpu.memory_space<vmem_shared>> -> memref<626x144xf32, #tpu.memory_space<vmem_shared>>
      tpu.wait_dma2 semaphore(%run_scoped3A : memref<!tpu.dma_semaphore, #tpu.memory_space<semaphore_mem>>) src(%dma_wait3A_66 : memref<626x144xf32, #tpu.memory_space<vmem_shared>>) dst(%dma_wait3A_64 : memref<626x144xf32, #tpu.memory_space<hbm>>)
      tpu.yield
    }) : () -> ()
    return
  }
}

#map = affine_map<(d0, d1) -> (0, 0)>
#map1 = affine_map<(d0, d1) -> (0, 0, 0)>
module attributes {stable_mosaic.version = 14 : i64} {
  func.func @_sc_pass_body(%arg0: i32, %arg1: i32, %arg2: memref<10240x144xf32, #tpu.memory_space<hbm>>, %arg3: memref<32x212x64xi32, #tpu.memory_space<hbm>>, %arg4: memref<32x212x64xi32, #tpu.memory_space<hbm>>, %arg5: memref<10016x144xf32, #tpu.memory_space<hbm>>, %arg6: memref<20032x144xf32, #tpu.memory_space<hbm>>, %arg7: memref<106x64xi32, #tpu.memory_space<vmem>>, %arg8: memref<106x64xi32, #tpu.memory_space<vmem>>, %arg9: memref<64x144xf32, #tpu.memory_space<vmem>>, %arg10: memref<64x144xf32, #tpu.memory_space<vmem>>, %arg11: memref<10016x144xf32, #tpu.memory_space<vmem_shared>>, %arg12: memref<!tpu.dma_semaphore, #tpu.memory_space<semaphore_mem>>) attributes {dimension_semantics = [#tpu.dimension_semantics<core_parallel>, #tpu.dimension_semantics<subcore_parallel>], iteration_bounds = array<i64: 2, 16>, scalar_prefetch = 0 : i64, scratch_operands = 6 : i64, tpu.core_type = #tpu.core_type<sc_vector_subcore>, window_params = [{transform_indices = #map}, {transform_indices = #map1}, {transform_indices = #map1}, {transform_indices = #map}, {transform_indices = #map}]} {
    %mul3A = arith.constant 16 : i32
    %mul3A_0 = arith.muli %arg0, %mul3A : i32
    %add3A = arith.addi %mul3A_0, %arg1 : i32
    %eq3A = arith.constant 0 : i32
    %eq3A_1 = arith.cmpi eq, %arg0, %eq3A : i32
    %jit3A = arith.constant 106 : i32
    %jit3A_2 = arith.constant 52 : i32
    %select_n3A = arith.select %eq3A_1, %jit3A, %jit3A_2 : i32
    %eq3A_3 = arith.constant 0 : i32
    %eq3A_4 = arith.cmpi eq, %arg0, %eq3A_3 : i32
    %jit3A_5 = arith.constant 53 : i32
    %jit3A_6 = arith.constant 26 : i32
    %select_n3A_7 = arith.select %eq3A_4, %jit3A_5, %jit3A_6 : i32
    %mul3A_8 = arith.constant 626 : i32
    %mul3A_9 = arith.muli %arg1, %mul3A_8 : i32
    %mul3A_10 = arith.constant 626 : i32
    %mul3A_11 = arith.muli %arg1, %mul3A_10 : i32
    "tpu.region"() ({
      %run_scoped3A = tpu.sem_alloc : memref<!tpu.dma_semaphore, #tpu.memory_space<semaphore_mem>>
      %dma_start3A_60 = arith.constant 0 : i32
      %dma_start3A_61 = tpu.memref_slice %arg11[%mul3A_11, %dma_start3A_60] : memref<10016x144xf32, #tpu.memory_space<vmem_shared>> -> memref<626x144xf32, #tpu.memory_space<vmem_shared>>
      %dma_start3A_62 = arith.constant 0 : i32
      %dma_start3A_63 = tpu.memref_slice %arg5[%mul3A_9, %dma_start3A_62] : memref<10016x144xf32, #tpu.memory_space<hbm>> -> memref<626x144xf32, #tpu.memory_space<hbm>>
      tpu.enqueue_dma source(%dma_start3A_63 : memref<626x144xf32, #tpu.memory_space<hbm>>) target(%dma_start3A_61 : memref<626x144xf32, #tpu.memory_space<vmem_shared>>) target_semaphore(%run_scoped3A : memref<!tpu.dma_semaphore, #tpu.memory_space<semaphore_mem>>)
      %dma_wait3A = arith.constant 0 : i32
      %dma_wait3A_64 = tpu.memref_slice %arg11[%mul3A_11, %dma_wait3A] : memref<10016x144xf32, #tpu.memory_space<vmem_shared>> -> memref<626x144xf32, #tpu.memory_space<vmem_shared>>
      %dma_wait3A_65 = arith.constant 0 : i32
      %dma_wait3A_66 = tpu.memref_slice %arg5[%mul3A_9, %dma_wait3A_65] : memref<10016x144xf32, #tpu.memory_space<hbm>> -> memref<626x144xf32, #tpu.memory_space<hbm>>
      tpu.wait_dma2 semaphore(%run_scoped3A : memref<!tpu.dma_semaphore, #tpu.memory_space<semaphore_mem>>) src(%dma_wait3A_66 : memref<626x144xf32, #tpu.memory_space<hbm>>) dst(%dma_wait3A_64 : memref<626x144xf32, #tpu.memory_space<vmem_shared>>)
      tpu.yield
    }) : () -> ()
    %barrier3A = arith.constant 0 : index
    tpu.barrier barrier_id(%barrier3A)
    %mul3A_12 = arith.constant 0 : i32
    %mul3A_13 = arith.muli %mul3A_12, %select_n3A : i32
    "tpu.region"() ({
      %run_scoped3A = tpu.sem_alloc : memref<!tpu.dma_semaphore, #tpu.memory_space<semaphore_mem>>
      %dma_start3A_60 = arith.constant 0 : i32
      %dma_start3A_61 = arith.constant 0 : i32
      %dma_start3A_62 = tpu.memref_slice %arg3[%add3A, %dma_start3A_60, %dma_start3A_61] : memref<32x212x64xi32, #tpu.memory_space<hbm>> -> memref<1x212x64xi32, #tpu.memory_space<hbm>>
      %dma_start3A_63 = tpu.memref_squeeze %dma_start3A_62 : memref<1x212x64xi32, #tpu.memory_space<hbm>> -> memref<212x64xi32, #tpu.memory_space<hbm>>
      %dma_start3A_64 = arith.constant 0 : i32
      %dma_start3A_65 = tpu.memref_slice %dma_start3A_63[%mul3A_13, %dma_start3A_64] : memref<212x64xi32, #tpu.memory_space<hbm>> -> memref<106x64xi32, #tpu.memory_space<hbm>>
      %dma_start3A_66 = arith.constant 0 : i32
      %dma_start3A_67 = arith.constant 0 : i32
      %dma_start3A_68 = tpu.memref_slice %arg3[%add3A, %dma_start3A_66, %dma_start3A_67] : memref<32x212x64xi32, #tpu.memory_space<hbm>> -> memref<1x212x64xi32, #tpu.memory_space<hbm>>
      %dma_start3A_69 = tpu.memref_squeeze %dma_start3A_68 : memref<1x212x64xi32, #tpu.memory_space<hbm>> -> memref<212x64xi32, #tpu.memory_space<hbm>>
      %dma_start3A_70 = arith.constant 0 : i32
      %dma_start3A_71 = tpu.memref_slice %dma_start3A_69[%mul3A_13, %dma_start3A_70] : memref<212x64xi32, #tpu.memory_space<hbm>> -> memref<106x64xi32, #tpu.memory_space<hbm>>
      tpu.enqueue_dma source(%dma_start3A_71 : memref<106x64xi32, #tpu.memory_space<hbm>>) target(%arg7 : memref<106x64xi32, #tpu.memory_space<vmem>>) target_semaphore(%run_scoped3A : memref<!tpu.dma_semaphore, #tpu.memory_space<semaphore_mem>>)
      %dma_wait3A = arith.constant 0 : i32
      %dma_wait3A_72 = arith.constant 0 : i32
      %dma_wait3A_73 = tpu.memref_slice %arg3[%add3A, %dma_wait3A, %dma_wait3A_72] : memref<32x212x64xi32, #tpu.memory_space<hbm>> -> memref<1x212x64xi32, #tpu.memory_space<hbm>>
      %dma_wait3A_74 = tpu.memref_squeeze %dma_wait3A_73 : memref<1x212x64xi32, #tpu.memory_space<hbm>> -> memref<212x64xi32, #tpu.memory_space<hbm>>
      %dma_wait3A_75 = arith.constant 0 : i32
      %dma_wait3A_76 = tpu.memref_slice %dma_wait3A_74[%mul3A_13, %dma_wait3A_75] : memref<212x64xi32, #tpu.memory_space<hbm>> -> memref<106x64xi32, #tpu.memory_space<hbm>>
      %dma_wait3A_77 = arith.constant 0 : i32
      %dma_wait3A_78 = arith.constant 0 : i32
      %dma_wait3A_79 = tpu.memref_slice %arg3[%add3A, %dma_wait3A_77, %dma_wait3A_78] : memref<32x212x64xi32, #tpu.memory_space<hbm>> -> memref<1x212x64xi32, #tpu.memory_space<hbm>>
      %dma_wait3A_80 = tpu.memref_squeeze %dma_wait3A_79 : memref<1x212x64xi32, #tpu.memory_space<hbm>> -> memref<212x64xi32, #tpu.memory_space<hbm>>
      %dma_wait3A_81 = arith.constant 0 : i32
      %dma_wait3A_82 = tpu.memref_slice %dma_wait3A_80[%mul3A_13, %dma_wait3A_81] : memref<212x64xi32, #tpu.memory_space<hbm>> -> memref<106x64xi32, #tpu.memory_space<hbm>>
      tpu.wait_dma2 semaphore(%run_scoped3A : memref<!tpu.dma_semaphore, #tpu.memory_space<semaphore_mem>>) src(%dma_wait3A_82 : memref<106x64xi32, #tpu.memory_space<hbm>>) dst(%arg7 : memref<106x64xi32, #tpu.memory_space<vmem>>)
      tpu.yield
    }) : () -> ()
    %mul3A_14 = arith.constant 0 : i32
    %mul3A_15 = arith.muli %mul3A_14, %select_n3A : i32
    "tpu.region"() ({
      %run_scoped3A = tpu.sem_alloc : memref<!tpu.dma_semaphore, #tpu.memory_space<semaphore_mem>>
      %dma_start3A_60 = arith.constant 0 : i32
      %dma_start3A_61 = arith.constant 0 : i32
      %dma_start3A_62 = tpu.memref_slice %arg4[%add3A, %dma_start3A_60, %dma_start3A_61] : memref<32x212x64xi32, #tpu.memory_space<hbm>> -> memref<1x212x64xi32, #tpu.memory_space<hbm>>
      %dma_start3A_63 = tpu.memref_squeeze %dma_start3A_62 : memref<1x212x64xi32, #tpu.memory_space<hbm>> -> memref<212x64xi32, #tpu.memory_space<hbm>>
      %dma_start3A_64 = arith.constant 0 : i32
      %dma_start3A_65 = tpu.memref_slice %dma_start3A_63[%mul3A_15, %dma_start3A_64] : memref<212x64xi32, #tpu.memory_space<hbm>> -> memref<106x64xi32, #tpu.memory_space<hbm>>
      %dma_start3A_66 = arith.constant 0 : i32
      %dma_start3A_67 = arith.constant 0 : i32
      %dma_start3A_68 = tpu.memref_slice %arg4[%add3A, %dma_start3A_66, %dma_start3A_67] : memref<32x212x64xi32, #tpu.memory_space<hbm>> -> memref<1x212x64xi32, #tpu.memory_space<hbm>>
      %dma_start3A_69 = tpu.memref_squeeze %dma_start3A_68 : memref<1x212x64xi32, #tpu.memory_space<hbm>> -> memref<212x64xi32, #tpu.memory_space<hbm>>
      %dma_start3A_70 = arith.constant 0 : i32
      %dma_start3A_71 = tpu.memref_slice %dma_start3A_69[%mul3A_15, %dma_start3A_70] : memref<212x64xi32, #tpu.memory_space<hbm>> -> memref<106x64xi32, #tpu.memory_space<hbm>>
      tpu.enqueue_dma source(%dma_start3A_71 : memref<106x64xi32, #tpu.memory_space<hbm>>) target(%arg8 : memref<106x64xi32, #tpu.memory_space<vmem>>) target_semaphore(%run_scoped3A : memref<!tpu.dma_semaphore, #tpu.memory_space<semaphore_mem>>)
      %dma_wait3A = arith.constant 0 : i32
      %dma_wait3A_72 = arith.constant 0 : i32
      %dma_wait3A_73 = tpu.memref_slice %arg4[%add3A, %dma_wait3A, %dma_wait3A_72] : memref<32x212x64xi32, #tpu.memory_space<hbm>> -> memref<1x212x64xi32, #tpu.memory_space<hbm>>
      %dma_wait3A_74 = tpu.memref_squeeze %dma_wait3A_73 : memref<1x212x64xi32, #tpu.memory_space<hbm>> -> memref<212x64xi32, #tpu.memory_space<hbm>>
      %dma_wait3A_75 = arith.constant 0 : i32
      %dma_wait3A_76 = tpu.memref_slice %dma_wait3A_74[%mul3A_15, %dma_wait3A_75] : memref<212x64xi32, #tpu.memory_space<hbm>> -> memref<106x64xi32, #tpu.memory_space<hbm>>
      %dma_wait3A_77 = arith.constant 0 : i32
      %dma_wait3A_78 = arith.constant 0 : i32
      %dma_wait3A_79 = tpu.memref_slice %arg4[%add3A, %dma_wait3A_77, %dma_wait3A_78] : memref<32x212x64xi32, #tpu.memory_space<hbm>> -> memref<1x212x64xi32, #tpu.memory_space<hbm>>
      %dma_wait3A_80 = tpu.memref_squeeze %dma_wait3A_79 : memref<1x212x64xi32, #tpu.memory_space<hbm>> -> memref<212x64xi32, #tpu.memory_space<hbm>>
      %dma_wait3A_81 = arith.constant 0 : i32
      %dma_wait3A_82 = tpu.memref_slice %dma_wait3A_80[%mul3A_15, %dma_wait3A_81] : memref<212x64xi32, #tpu.memory_space<hbm>> -> memref<106x64xi32, #tpu.memory_space<hbm>>
      tpu.wait_dma2 semaphore(%run_scoped3A : memref<!tpu.dma_semaphore, #tpu.memory_space<semaphore_mem>>) src(%dma_wait3A_82 : memref<106x64xi32, #tpu.memory_space<hbm>>) dst(%arg8 : memref<106x64xi32, #tpu.memory_space<vmem>>)
      tpu.yield
    }) : () -> ()
    %dma_start3A = arith.constant 0 : i32
    %dma_start3A_16 = arith.constant 0 : i32
    %dma_start3A_17 = tpu.memref_slice %arg7[%dma_start3A, %dma_start3A_16] : memref<106x64xi32, #tpu.memory_space<vmem>> -> memref<1x64xi32, #tpu.memory_space<vmem>>
    %dma_start3A_18 = tpu.memref_squeeze %dma_start3A_17 : memref<1x64xi32, #tpu.memory_space<vmem>> -> memref<64xi32, #tpu.memory_space<vmem>>
    %dma_start3A_19 = arith.constant 0 : i32
    %dma_start3A_20 = arith.constant 0 : i32
    %dma_start3A_21 = tpu.memref_slice %arg2[%dma_start3A_19, %dma_start3A_20] : memref<10240x144xf32, #tpu.memory_space<hbm>> -> memref<10240x144xf32, #tpu.memory_space<hbm>>
    tpu.enqueue_indirect_dma source(%dma_start3A_21 : memref<10240x144xf32, #tpu.memory_space<hbm>>) target(%arg9 : memref<64x144xf32, #tpu.memory_space<vmem>>) offsets(%dma_start3A_18 : memref<64xi32, #tpu.memory_space<vmem>>) semaphore(%arg12 : memref<!tpu.dma_semaphore, #tpu.memory_space<semaphore_mem>>)
    %while3A = arith.constant 0 : i32
    %while3A_22 = arith.constant 0 : i32
    %while3A_23 = arith.subi %select_n3A_7, %while3A_22 : i32
    %while3A_24 = arith.addi %while3A_22, %while3A_23 : i32
    %while3A_25 = arith.constant 1 : i32
    %while3A_26 = arith.divsi %while3A_23, %while3A_25 : i32
    %while3A_27 = arith.muli %while3A_26, %while3A_25 : i32
    %while3A_28 = arith.addi %while3A_22, %while3A_27 : i32
    %while3A_29 = arith.constant 1 : i32
    scf.for %while3A_60 = %while3A_22 to %while3A_28 step %while3A_29  : i32 {
      %mul3A_61 = arith.constant 2 : i32
      %mul3A_62 = arith.muli %mul3A_61, %while3A_60 : i32
      %dma_wait3A = arith.constant 0 : i32
      %dma_wait3A_63 = tpu.memref_slice %arg7[%mul3A_62, %dma_wait3A] : memref<106x64xi32, #tpu.memory_space<vmem>> -> memref<1x64xi32, #tpu.memory_space<vmem>>
      %dma_wait3A_64 = tpu.memref_squeeze %dma_wait3A_63 : memref<1x64xi32, #tpu.memory_space<vmem>> -> memref<64xi32, #tpu.memory_space<vmem>>
      %dma_wait3A_65 = arith.constant 0 : i32
      %dma_wait3A_66 = arith.constant 0 : i32
      %dma_wait3A_67 = tpu.memref_slice %arg2[%dma_wait3A_65, %dma_wait3A_66] : memref<10240x144xf32, #tpu.memory_space<hbm>> -> memref<10240x144xf32, #tpu.memory_space<hbm>>
      tpu.wait_indirect_dma semaphore(%arg12 : memref<!tpu.dma_semaphore, #tpu.memory_space<semaphore_mem>>) src(%dma_wait3A_67 : memref<10240x144xf32, #tpu.memory_space<hbm>>) dst(%arg9 : memref<64x144xf32, #tpu.memory_space<vmem>>)
      %add3A_68 = arith.constant 1 : i32
      %add3A_69 = arith.addi %mul3A_62, %add3A_68 : i32
      %dma_start3A_70 = arith.constant 0 : i32
      %dma_start3A_71 = tpu.memref_slice %arg7[%add3A_69, %dma_start3A_70] : memref<106x64xi32, #tpu.memory_space<vmem>> -> memref<1x64xi32, #tpu.memory_space<vmem>>
      %dma_start3A_72 = tpu.memref_squeeze %dma_start3A_71 : memref<1x64xi32, #tpu.memory_space<vmem>> -> memref<64xi32, #tpu.memory_space<vmem>>
      %dma_start3A_73 = arith.constant 0 : i32
      %dma_start3A_74 = arith.constant 0 : i32
      %dma_start3A_75 = tpu.memref_slice %arg2[%dma_start3A_73, %dma_start3A_74] : memref<10240x144xf32, #tpu.memory_space<hbm>> -> memref<10240x144xf32, #tpu.memory_space<hbm>>
      tpu.enqueue_indirect_dma source(%dma_start3A_75 : memref<10240x144xf32, #tpu.memory_space<hbm>>) target(%arg10 : memref<64x144xf32, #tpu.memory_space<vmem>>) offsets(%dma_start3A_72 : memref<64xi32, #tpu.memory_space<vmem>>) semaphore(%arg12 : memref<!tpu.dma_semaphore, #tpu.memory_space<semaphore_mem>>)
      "tpu.region"() ({
        %run_scoped3A = tpu.sem_alloc : memref<!tpu.dma_semaphore, #tpu.memory_space<semaphore_mem>>
        %dma_start3A_89 = arith.constant 0 : i32
        %dma_start3A_90 = tpu.memref_slice %arg8[%mul3A_62, %dma_start3A_89] : memref<106x64xi32, #tpu.memory_space<vmem>> -> memref<1x64xi32, #tpu.memory_space<vmem>>
        %dma_start3A_91 = tpu.memref_squeeze %dma_start3A_90 : memref<1x64xi32, #tpu.memory_space<vmem>> -> memref<64xi32, #tpu.memory_space<vmem>>
        %dma_start3A_92 = arith.constant 0 : i32
        %dma_start3A_93 = arith.constant 0 : i32
        %dma_start3A_94 = tpu.memref_slice %arg11[%dma_start3A_92, %dma_start3A_93] : memref<10016x144xf32, #tpu.memory_space<vmem_shared>> -> memref<10016x144xf32, #tpu.memory_space<vmem_shared>>
        tpu.enqueue_indirect_dma source(%arg9 : memref<64x144xf32, #tpu.memory_space<vmem>>) target(%dma_start3A_94 : memref<10016x144xf32, #tpu.memory_space<vmem_shared>>) offsets(%dma_start3A_91 : memref<64xi32, #tpu.memory_space<vmem>>) semaphore(%run_scoped3A : memref<!tpu.dma_semaphore, #tpu.memory_space<semaphore_mem>>) {add = true}
        %dma_wait3A_95 = arith.constant 0 : i32
        %dma_wait3A_96 = tpu.memref_slice %arg8[%mul3A_62, %dma_wait3A_95] : memref<106x64xi32, #tpu.memory_space<vmem>> -> memref<1x64xi32, #tpu.memory_space<vmem>>
        %dma_wait3A_97 = tpu.memref_squeeze %dma_wait3A_96 : memref<1x64xi32, #tpu.memory_space<vmem>> -> memref<64xi32, #tpu.memory_space<vmem>>
        %dma_wait3A_98 = arith.constant 0 : i32
        %dma_wait3A_99 = arith.constant 0 : i32
        %dma_wait3A_100 = tpu.memref_slice %arg11[%dma_wait3A_98, %dma_wait3A_99] : memref<10016x144xf32, #tpu.memory_space<vmem_shared>> -> memref<10016x144xf32, #tpu.memory_space<vmem_shared>>
        tpu.wait_indirect_dma semaphore(%run_scoped3A : memref<!tpu.dma_semaphore, #tpu.memory_space<semaphore_mem>>) src(%arg9 : memref<64x144xf32, #tpu.memory_space<vmem>>) dst(%dma_wait3A_100 : memref<10016x144xf32, #tpu.memory_space<vmem_shared>>)
        tpu.yield
      }) : () -> ()
      %add3A_76 = arith.constant 1 : i32
      %add3A_77 = arith.addi %mul3A_62, %add3A_76 : i32
      %dma_wait3A_78 = arith.constant 0 : i32
      %dma_wait3A_79 = tpu.memref_slice %arg7[%add3A_77, %dma_wait3A_78] : memref<106x64xi32, #tpu.memory_space<vmem>> -> memref<1x64xi32, #tpu.memory_space<vmem>>
      %dma_wait3A_80 = tpu.memref_squeeze %dma_wait3A_79 : memref<1x64xi32, #tpu.memory_space<vmem>> -> memref<64xi32, #tpu.memory_space<vmem>>
      %dma_wait3A_81 = arith.constant 0 : i32
      %dma_wait3A_82 = arith.constant 0 : i32
      %dma_wait3A_83 = tpu.memref_slice %arg2[%dma_wait3A_81, %dma_wait3A_82] : memref<10240x144xf32, #tpu.memory_space<hbm>> -> memref<10240x144xf32, #tpu.memory_space<hbm>>
      tpu.wait_indirect_dma semaphore(%arg12 : memref<!tpu.dma_semaphore, #tpu.memory_space<semaphore_mem>>) src(%dma_wait3A_83 : memref<10240x144xf32, #tpu.memory_space<hbm>>) dst(%arg10 : memref<64x144xf32, #tpu.memory_space<vmem>>)
      %add3A_84 = arith.constant 2 : i32
      %add3A_85 = arith.addi %mul3A_62, %add3A_84 : i32
      %lt3A = arith.cmpi slt, %add3A_85, %select_n3A : i32
      %convert_element_type3A = arith.extui %lt3A : i1 to i32
      %cond3A = arith.constant 0 : i32
      %cond3A_86 = arith.cmpi ne, %convert_element_type3A, %cond3A : i32
      scf.if %cond3A_86 {
        %add3A_89 = arith.constant 2 : i32
        %add3A_90 = arith.addi %mul3A_62, %add3A_89 : i32
        %dma_start3A_91 = arith.constant 0 : i32
        %dma_start3A_92 = tpu.memref_slice %arg7[%add3A_90, %dma_start3A_91] : memref<106x64xi32, #tpu.memory_space<vmem>> -> memref<1x64xi32, #tpu.memory_space<vmem>>
        %dma_start3A_93 = tpu.memref_squeeze %dma_start3A_92 : memref<1x64xi32, #tpu.memory_space<vmem>> -> memref<64xi32, #tpu.memory_space<vmem>>
        %dma_start3A_94 = arith.constant 0 : i32
        %dma_start3A_95 = arith.constant 0 : i32
        %dma_start3A_96 = tpu.memref_slice %arg2[%dma_start3A_94, %dma_start3A_95] : memref<10240x144xf32, #tpu.memory_space<hbm>> -> memref<10240x144xf32, #tpu.memory_space<hbm>>
        tpu.enqueue_indirect_dma source(%dma_start3A_96 : memref<10240x144xf32, #tpu.memory_space<hbm>>) target(%arg9 : memref<64x144xf32, #tpu.memory_space<vmem>>) offsets(%dma_start3A_93 : memref<64xi32, #tpu.memory_space<vmem>>) semaphore(%arg12 : memref<!tpu.dma_semaphore, #tpu.memory_space<semaphore_mem>>)
      } else {
      }
      %add3A_87 = arith.constant 1 : i32
      %add3A_88 = arith.addi %mul3A_62, %add3A_87 : i32
      "tpu.region"() ({
        %run_scoped3A = tpu.sem_alloc : memref<!tpu.dma_semaphore, #tpu.memory_space<semaphore_mem>>
        %dma_start3A_89 = arith.constant 0 : i32
        %dma_start3A_90 = tpu.memref_slice %arg8[%add3A_88, %dma_start3A_89] : memref<106x64xi32, #tpu.memory_space<vmem>> -> memref<1x64xi32, #tpu.memory_space<vmem>>
        %dma_start3A_91 = tpu.memref_squeeze %dma_start3A_90 : memref<1x64xi32, #tpu.memory_space<vmem>> -> memref<64xi32, #tpu.memory_space<vmem>>
        %dma_start3A_92 = arith.constant 0 : i32
        %dma_start3A_93 = arith.constant 0 : i32
        %dma_start3A_94 = tpu.memref_slice %arg11[%dma_start3A_92, %dma_start3A_93] : memref<10016x144xf32, #tpu.memory_space<vmem_shared>> -> memref<10016x144xf32, #tpu.memory_space<vmem_shared>>
        tpu.enqueue_indirect_dma source(%arg10 : memref<64x144xf32, #tpu.memory_space<vmem>>) target(%dma_start3A_94 : memref<10016x144xf32, #tpu.memory_space<vmem_shared>>) offsets(%dma_start3A_91 : memref<64xi32, #tpu.memory_space<vmem>>) semaphore(%run_scoped3A : memref<!tpu.dma_semaphore, #tpu.memory_space<semaphore_mem>>) {add = true}
        %dma_wait3A_95 = arith.constant 0 : i32
        %dma_wait3A_96 = tpu.memref_slice %arg8[%add3A_88, %dma_wait3A_95] : memref<106x64xi32, #tpu.memory_space<vmem>> -> memref<1x64xi32, #tpu.memory_space<vmem>>
        %dma_wait3A_97 = tpu.memref_squeeze %dma_wait3A_96 : memref<1x64xi32, #tpu.memory_space<vmem>> -> memref<64xi32, #tpu.memory_space<vmem>>
        %dma_wait3A_98 = arith.constant 0 : i32
        %dma_wait3A_99 = arith.constant 0 : i32
        %dma_wait3A_100 = tpu.memref_slice %arg11[%dma_wait3A_98, %dma_wait3A_99] : memref<10016x144xf32, #tpu.memory_space<vmem_shared>> -> memref<10016x144xf32, #tpu.memory_space<vmem_shared>>
        tpu.wait_indirect_dma semaphore(%run_scoped3A : memref<!tpu.dma_semaphore, #tpu.memory_space<semaphore_mem>>) src(%arg10 : memref<64x144xf32, #tpu.memory_space<vmem>>) dst(%dma_wait3A_100 : memref<10016x144xf32, #tpu.memory_space<vmem_shared>>)
        tpu.yield
      }) : () -> ()
    }
    %while3A_30 = arith.constant 1 : i32
    scf.for %while3A_60 = %while3A_28 to %while3A_24 step %while3A_30  : i32 {
      %mul3A_61 = arith.constant 2 : i32
      %mul3A_62 = arith.muli %mul3A_61, %while3A_60 : i32
      %dma_wait3A = arith.constant 0 : i32
      %dma_wait3A_63 = tpu.memref_slice %arg7[%mul3A_62, %dma_wait3A] : memref<106x64xi32, #tpu.memory_space<vmem>> -> memref<1x64xi32, #tpu.memory_space<vmem>>
      %dma_wait3A_64 = tpu.memref_squeeze %dma_wait3A_63 : memref<1x64xi32, #tpu.memory_space<vmem>> -> memref<64xi32, #tpu.memory_space<vmem>>
      %dma_wait3A_65 = arith.constant 0 : i32
      %dma_wait3A_66 = arith.constant 0 : i32
      %dma_wait3A_67 = tpu.memref_slice %arg2[%dma_wait3A_65, %dma_wait3A_66] : memref<10240x144xf32, #tpu.memory_space<hbm>> -> memref<10240x144xf32, #tpu.memory_space<hbm>>
      tpu.wait_indirect_dma semaphore(%arg12 : memref<!tpu.dma_semaphore, #tpu.memory_space<semaphore_mem>>) src(%dma_wait3A_67 : memref<10240x144xf32, #tpu.memory_space<hbm>>) dst(%arg9 : memref<64x144xf32, #tpu.memory_space<vmem>>)
      %add3A_68 = arith.constant 1 : i32
      %add3A_69 = arith.addi %mul3A_62, %add3A_68 : i32
      %dma_start3A_70 = arith.constant 0 : i32
      %dma_start3A_71 = tpu.memref_slice %arg7[%add3A_69, %dma_start3A_70] : memref<106x64xi32, #tpu.memory_space<vmem>> -> memref<1x64xi32, #tpu.memory_space<vmem>>
      %dma_start3A_72 = tpu.memref_squeeze %dma_start3A_71 : memref<1x64xi32, #tpu.memory_space<vmem>> -> memref<64xi32, #tpu.memory_space<vmem>>
      %dma_start3A_73 = arith.constant 0 : i32
      %dma_start3A_74 = arith.constant 0 : i32
      %dma_start3A_75 = tpu.memref_slice %arg2[%dma_start3A_73, %dma_start3A_74] : memref<10240x144xf32, #tpu.memory_space<hbm>> -> memref<10240x144xf32, #tpu.memory_space<hbm>>
      tpu.enqueue_indirect_dma source(%dma_start3A_75 : memref<10240x144xf32, #tpu.memory_space<hbm>>) target(%arg10 : memref<64x144xf32, #tpu.memory_space<vmem>>) offsets(%dma_start3A_72 : memref<64xi32, #tpu.memory_space<vmem>>) semaphore(%arg12 : memref<!tpu.dma_semaphore, #tpu.memory_space<semaphore_mem>>)
      "tpu.region"() ({
        %run_scoped3A = tpu.sem_alloc : memref<!tpu.dma_semaphore, #tpu.memory_space<semaphore_mem>>
        %dma_start3A_89 = arith.constant 0 : i32
        %dma_start3A_90 = tpu.memref_slice %arg8[%mul3A_62, %dma_start3A_89] : memref<106x64xi32, #tpu.memory_space<vmem>> -> memref<1x64xi32, #tpu.memory_space<vmem>>
        %dma_start3A_91 = tpu.memref_squeeze %dma_start3A_90 : memref<1x64xi32, #tpu.memory_space<vmem>> -> memref<64xi32, #tpu.memory_space<vmem>>
        %dma_start3A_92 = arith.constant 0 : i32
        %dma_start3A_93 = arith.constant 0 : i32
        %dma_start3A_94 = tpu.memref_slice %arg11[%dma_start3A_92, %dma_start3A_93] : memref<10016x144xf32, #tpu.memory_space<vmem_shared>> -> memref<10016x144xf32, #tpu.memory_space<vmem_shared>>
        tpu.enqueue_indirect_dma source(%arg9 : memref<64x144xf32, #tpu.memory_space<vmem>>) target(%dma_start3A_94 : memref<10016x144xf32, #tpu.memory_space<vmem_shared>>) offsets(%dma_start3A_91 : memref<64xi32, #tpu.memory_space<vmem>>) semaphore(%run_scoped3A : memref<!tpu.dma_semaphore, #tpu.memory_space<semaphore_mem>>) {add = true}
        %dma_wait3A_95 = arith.constant 0 : i32
        %dma_wait3A_96 = tpu.memref_slice %arg8[%mul3A_62, %dma_wait3A_95] : memref<106x64xi32, #tpu.memory_space<vmem>> -> memref<1x64xi32, #tpu.memory_space<vmem>>
        %dma_wait3A_97 = tpu.memref_squeeze %dma_wait3A_96 : memref<1x64xi32, #tpu.memory_space<vmem>> -> memref<64xi32, #tpu.memory_space<vmem>>
        %dma_wait3A_98 = arith.constant 0 : i32
        %dma_wait3A_99 = arith.constant 0 : i32
        %dma_wait3A_100 = tpu.memref_slice %arg11[%dma_wait3A_98, %dma_wait3A_99] : memref<10016x144xf32, #tpu.memory_space<vmem_shared>> -> memref<10016x144xf32, #tpu.memory_space<vmem_shared>>
        tpu.wait_indirect_dma semaphore(%run_scoped3A : memref<!tpu.dma_semaphore, #tpu.memory_space<semaphore_mem>>) src(%arg9 : memref<64x144xf32, #tpu.memory_space<vmem>>) dst(%dma_wait3A_100 : memref<10016x144xf32, #tpu.memory_space<vmem_shared>>)
        tpu.yield
      }) : () -> ()
      %add3A_76 = arith.constant 1 : i32
      %add3A_77 = arith.addi %mul3A_62, %add3A_76 : i32
      %dma_wait3A_78 = arith.constant 0 : i32
      %dma_wait3A_79 = tpu.memref_slice %arg7[%add3A_77, %dma_wait3A_78] : memref<106x64xi32, #tpu.memory_space<vmem>> -> memref<1x64xi32, #tpu.memory_space<vmem>>
      %dma_wait3A_80 = tpu.memref_squeeze %dma_wait3A_79 : memref<1x64xi32, #tpu.memory_space<vmem>> -> memref<64xi32, #tpu.memory_space<vmem>>
      %dma_wait3A_81 = arith.constant 0 : i32
      %dma_wait3A_82 = arith.constant 0 : i32
      %dma_wait3A_83 = tpu.memref_slice %arg2[%dma_wait3A_81, %dma_wait3A_82] : memref<10240x144xf32, #tpu.memory_space<hbm>> -> memref<10240x144xf32, #tpu.memory_space<hbm>>
      tpu.wait_indirect_dma semaphore(%arg12 : memref<!tpu.dma_semaphore, #tpu.memory_space<semaphore_mem>>) src(%dma_wait3A_83 : memref<10240x144xf32, #tpu.memory_space<hbm>>) dst(%arg10 : memref<64x144xf32, #tpu.memory_space<vmem>>)
      %add3A_84 = arith.constant 2 : i32
      %add3A_85 = arith.addi %mul3A_62, %add3A_84 : i32
      %lt3A = arith.cmpi slt, %add3A_85, %select_n3A : i32
      %convert_element_type3A = arith.extui %lt3A : i1 to i32
      %cond3A = arith.constant 0 : i32
      %cond3A_86 = arith.cmpi ne, %convert_element_type3A, %cond3A : i32
      scf.if %cond3A_86 {
        %add3A_89 = arith.constant 2 : i32
        %add3A_90 = arith.addi %mul3A_62, %add3A_89 : i32
        %dma_start3A_91 = arith.constant 0 : i32
        %dma_start3A_92 = tpu.memref_slice %arg7[%add3A_90, %dma_start3A_91] : memref<106x64xi32, #tpu.memory_space<vmem>> -> memref<1x64xi32, #tpu.memory_space<vmem>>
        %dma_start3A_93 = tpu.memref_squeeze %dma_start3A_92 : memref<1x64xi32, #tpu.memory_space<vmem>> -> memref<64xi32, #tpu.memory_space<vmem>>
        %dma_start3A_94 = arith.constant 0 : i32
        %dma_start3A_95 = arith.constant 0 : i32
        %dma_start3A_96 = tpu.memref_slice %arg2[%dma_start3A_94, %dma_start3A_95] : memref<10240x144xf32, #tpu.memory_space<hbm>> -> memref<10240x144xf32, #tpu.memory_space<hbm>>
        tpu.enqueue_indirect_dma source(%dma_start3A_96 : memref<10240x144xf32, #tpu.memory_space<hbm>>) target(%arg9 : memref<64x144xf32, #tpu.memory_space<vmem>>) offsets(%dma_start3A_93 : memref<64xi32, #tpu.memory_space<vmem>>) semaphore(%arg12 : memref<!tpu.dma_semaphore, #tpu.memory_space<semaphore_mem>>)
      } else {
      }
      %add3A_87 = arith.constant 1 : i32
      %add3A_88 = arith.addi %mul3A_62, %add3A_87 : i32
      "tpu.region"() ({
        %run_scoped3A = tpu.sem_alloc : memref<!tpu.dma_semaphore, #tpu.memory_space<semaphore_mem>>
        %dma_start3A_89 = arith.constant 0 : i32
        %dma_start3A_90 = tpu.memref_slice %arg8[%add3A_88, %dma_start3A_89] : memref<106x64xi32, #tpu.memory_space<vmem>> -> memref<1x64xi32, #tpu.memory_space<vmem>>
        %dma_start3A_91 = tpu.memref_squeeze %dma_start3A_90 : memref<1x64xi32, #tpu.memory_space<vmem>> -> memref<64xi32, #tpu.memory_space<vmem>>
        %dma_start3A_92 = arith.constant 0 : i32
        %dma_start3A_93 = arith.constant 0 : i32
        %dma_start3A_94 = tpu.memref_slice %arg11[%dma_start3A_92, %dma_start3A_93] : memref<10016x144xf32, #tpu.memory_space<vmem_shared>> -> memref<10016x144xf32, #tpu.memory_space<vmem_shared>>
        tpu.enqueue_indirect_dma source(%arg10 : memref<64x144xf32, #tpu.memory_space<vmem>>) target(%dma_start3A_94 : memref<10016x144xf32, #tpu.memory_space<vmem_shared>>) offsets(%dma_start3A_91 : memref<64xi32, #tpu.memory_space<vmem>>) semaphore(%run_scoped3A : memref<!tpu.dma_semaphore, #tpu.memory_space<semaphore_mem>>) {add = true}
        %dma_wait3A_95 = arith.constant 0 : i32
        %dma_wait3A_96 = tpu.memref_slice %arg8[%add3A_88, %dma_wait3A_95] : memref<106x64xi32, #tpu.memory_space<vmem>> -> memref<1x64xi32, #tpu.memory_space<vmem>>
        %dma_wait3A_97 = tpu.memref_squeeze %dma_wait3A_96 : memref<1x64xi32, #tpu.memory_space<vmem>> -> memref<64xi32, #tpu.memory_space<vmem>>
        %dma_wait3A_98 = arith.constant 0 : i32
        %dma_wait3A_99 = arith.constant 0 : i32
        %dma_wait3A_100 = tpu.memref_slice %arg11[%dma_wait3A_98, %dma_wait3A_99] : memref<10016x144xf32, #tpu.memory_space<vmem_shared>> -> memref<10016x144xf32, #tpu.memory_space<vmem_shared>>
        tpu.wait_indirect_dma semaphore(%run_scoped3A : memref<!tpu.dma_semaphore, #tpu.memory_space<semaphore_mem>>) src(%arg10 : memref<64x144xf32, #tpu.memory_space<vmem>>) dst(%dma_wait3A_100 : memref<10016x144xf32, #tpu.memory_space<vmem_shared>>)
        tpu.yield
      }) : () -> ()
    }
    %mul3A_31 = arith.constant 1 : i32
    %mul3A_32 = arith.muli %mul3A_31, %select_n3A : i32
    "tpu.region"() ({
      %run_scoped3A = tpu.sem_alloc : memref<!tpu.dma_semaphore, #tpu.memory_space<semaphore_mem>>
      %dma_start3A_60 = arith.constant 0 : i32
      %dma_start3A_61 = arith.constant 0 : i32
      %dma_start3A_62 = tpu.memref_slice %arg3[%add3A, %dma_start3A_60, %dma_start3A_61] : memref<32x212x64xi32, #tpu.memory_space<hbm>> -> memref<1x212x64xi32, #tpu.memory_space<hbm>>
      %dma_start3A_63 = tpu.memref_squeeze %dma_start3A_62 : memref<1x212x64xi32, #tpu.memory_space<hbm>> -> memref<212x64xi32, #tpu.memory_space<hbm>>
      %dma_start3A_64 = arith.constant 0 : i32
      %dma_start3A_65 = tpu.memref_slice %dma_start3A_63[%mul3A_32, %dma_start3A_64] : memref<212x64xi32, #tpu.memory_space<hbm>> -> memref<106x64xi32, #tpu.memory_space<hbm>>
      %dma_start3A_66 = arith.constant 0 : i32
      %dma_start3A_67 = arith.constant 0 : i32
      %dma_start3A_68 = tpu.memref_slice %arg3[%add3A, %dma_start3A_66, %dma_start3A_67] : memref<32x212x64xi32, #tpu.memory_space<hbm>> -> memref<1x212x64xi32, #tpu.memory_space<hbm>>
      %dma_start3A_69 = tpu.memref_squeeze %dma_start3A_68 : memref<1x212x64xi32, #tpu.memory_space<hbm>> -> memref<212x64xi32, #tpu.memory_space<hbm>>
      %dma_start3A_70 = arith.constant 0 : i32
      %dma_start3A_71 = tpu.memref_slice %dma_start3A_69[%mul3A_32, %dma_start3A_70] : memref<212x64xi32, #tpu.memory_space<hbm>> -> memref<106x64xi32, #tpu.memory_space<hbm>>
      tpu.enqueue_dma source(%dma_start3A_71 : memref<106x64xi32, #tpu.memory_space<hbm>>) target(%arg7 : memref<106x64xi32, #tpu.memory_space<vmem>>) target_semaphore(%run_scoped3A : memref<!tpu.dma_semaphore, #tpu.memory_space<semaphore_mem>>)
      %dma_wait3A = arith.constant 0 : i32
      %dma_wait3A_72 = arith.constant 0 : i32
      %dma_wait3A_73 = tpu.memref_slice %arg3[%add3A, %dma_wait3A, %dma_wait3A_72] : memref<32x212x64xi32, #tpu.memory_space<hbm>> -> memref<1x212x64xi32, #tpu.memory_space<hbm>>
      %dma_wait3A_74 = tpu.memref_squeeze %dma_wait3A_73 : memref<1x212x64xi32, #tpu.memory_space<hbm>> -> memref<212x64xi32, #tpu.memory_space<hbm>>
      %dma_wait3A_75 = arith.constant 0 : i32
      %dma_wait3A_76 = tpu.memref_slice %dma_wait3A_74[%mul3A_32, %dma_wait3A_75] : memref<212x64xi32, #tpu.memory_space<hbm>> -> memref<106x64xi32, #tpu.memory_space<hbm>>
      %dma_wait3A_77 = arith.constant 0 : i32
      %dma_wait3A_78 = arith.constant 0 : i32
      %dma_wait3A_79 = tpu.memref_slice %arg3[%add3A, %dma_wait3A_77, %dma_wait3A_78] : memref<32x212x64xi32, #tpu.memory_space<hbm>> -> memref<1x212x64xi32, #tpu.memory_space<hbm>>
      %dma_wait3A_80 = tpu.memref_squeeze %dma_wait3A_79 : memref<1x212x64xi32, #tpu.memory_space<hbm>> -> memref<212x64xi32, #tpu.memory_space<hbm>>
      %dma_wait3A_81 = arith.constant 0 : i32
      %dma_wait3A_82 = tpu.memref_slice %dma_wait3A_80[%mul3A_32, %dma_wait3A_81] : memref<212x64xi32, #tpu.memory_space<hbm>> -> memref<106x64xi32, #tpu.memory_space<hbm>>
      tpu.wait_dma2 semaphore(%run_scoped3A : memref<!tpu.dma_semaphore, #tpu.memory_space<semaphore_mem>>) src(%dma_wait3A_82 : memref<106x64xi32, #tpu.memory_space<hbm>>) dst(%arg7 : memref<106x64xi32, #tpu.memory_space<vmem>>)
      tpu.yield
    }) : () -> ()
    %mul3A_33 = arith.constant 1 : i32
    %mul3A_34 = arith.muli %mul3A_33, %select_n3A : i32
    "tpu.region"() ({
      %run_scoped3A = tpu.sem_alloc : memref<!tpu.dma_semaphore, #tpu.memory_space<semaphore_mem>>
      %dma_start3A_60 = arith.constant 0 : i32
      %dma_start3A_61 = arith.constant 0 : i32
      %dma_start3A_62 = tpu.memref_slice %arg4[%add3A, %dma_start3A_60, %dma_start3A_61] : memref<32x212x64xi32, #tpu.memory_space<hbm>> -> memref<1x212x64xi32, #tpu.memory_space<hbm>>
      %dma_start3A_63 = tpu.memref_squeeze %dma_start3A_62 : memref<1x212x64xi32, #tpu.memory_space<hbm>> -> memref<212x64xi32, #tpu.memory_space<hbm>>
      %dma_start3A_64 = arith.constant 0 : i32
      %dma_start3A_65 = tpu.memref_slice %dma_start3A_63[%mul3A_34, %dma_start3A_64] : memref<212x64xi32, #tpu.memory_space<hbm>> -> memref<106x64xi32, #tpu.memory_space<hbm>>
      %dma_start3A_66 = arith.constant 0 : i32
      %dma_start3A_67 = arith.constant 0 : i32
      %dma_start3A_68 = tpu.memref_slice %arg4[%add3A, %dma_start3A_66, %dma_start3A_67] : memref<32x212x64xi32, #tpu.memory_space<hbm>> -> memref<1x212x64xi32, #tpu.memory_space<hbm>>
      %dma_start3A_69 = tpu.memref_squeeze %dma_start3A_68 : memref<1x212x64xi32, #tpu.memory_space<hbm>> -> memref<212x64xi32, #tpu.memory_space<hbm>>
      %dma_start3A_70 = arith.constant 0 : i32
      %dma_start3A_71 = tpu.memref_slice %dma_start3A_69[%mul3A_34, %dma_start3A_70] : memref<212x64xi32, #tpu.memory_space<hbm>> -> memref<106x64xi32, #tpu.memory_space<hbm>>
      tpu.enqueue_dma source(%dma_start3A_71 : memref<106x64xi32, #tpu.memory_space<hbm>>) target(%arg8 : memref<106x64xi32, #tpu.memory_space<vmem>>) target_semaphore(%run_scoped3A : memref<!tpu.dma_semaphore, #tpu.memory_space<semaphore_mem>>)
      %dma_wait3A = arith.constant 0 : i32
      %dma_wait3A_72 = arith.constant 0 : i32
      %dma_wait3A_73 = tpu.memref_slice %arg4[%add3A, %dma_wait3A, %dma_wait3A_72] : memref<32x212x64xi32, #tpu.memory_space<hbm>> -> memref<1x212x64xi32, #tpu.memory_space<hbm>>
      %dma_wait3A_74 = tpu.memref_squeeze %dma_wait3A_73 : memref<1x212x64xi32, #tpu.memory_space<hbm>> -> memref<212x64xi32, #tpu.memory_space<hbm>>
      %dma_wait3A_75 = arith.constant 0 : i32
      %dma_wait3A_76 = tpu.memref_slice %dma_wait3A_74[%mul3A_34, %dma_wait3A_75] : memref<212x64xi32, #tpu.memory_space<hbm>> -> memref<106x64xi32, #tpu.memory_space<hbm>>
      %dma_wait3A_77 = arith.constant 0 : i32
      %dma_wait3A_78 = arith.constant 0 : i32
      %dma_wait3A_79 = tpu.memref_slice %arg4[%add3A, %dma_wait3A_77, %dma_wait3A_78] : memref<32x212x64xi32, #tpu.memory_space<hbm>> -> memref<1x212x64xi32, #tpu.memory_space<hbm>>
      %dma_wait3A_80 = tpu.memref_squeeze %dma_wait3A_79 : memref<1x212x64xi32, #tpu.memory_space<hbm>> -> memref<212x64xi32, #tpu.memory_space<hbm>>
      %dma_wait3A_81 = arith.constant 0 : i32
      %dma_wait3A_82 = tpu.memref_slice %dma_wait3A_80[%mul3A_34, %dma_wait3A_81] : memref<212x64xi32, #tpu.memory_space<hbm>> -> memref<106x64xi32, #tpu.memory_space<hbm>>
      tpu.wait_dma2 semaphore(%run_scoped3A : memref<!tpu.dma_semaphore, #tpu.memory_space<semaphore_mem>>) src(%dma_wait3A_82 : memref<106x64xi32, #tpu.memory_space<hbm>>) dst(%arg8 : memref<106x64xi32, #tpu.memory_space<vmem>>)
      tpu.yield
    }) : () -> ()
    %dma_start3A_35 = arith.constant 0 : i32
    %dma_start3A_36 = arith.constant 0 : i32
    %dma_start3A_37 = tpu.memref_slice %arg7[%dma_start3A_35, %dma_start3A_36] : memref<106x64xi32, #tpu.memory_space<vmem>> -> memref<1x64xi32, #tpu.memory_space<vmem>>
    %dma_start3A_38 = tpu.memref_squeeze %dma_start3A_37 : memref<1x64xi32, #tpu.memory_space<vmem>> -> memref<64xi32, #tpu.memory_space<vmem>>
    %dma_start3A_39 = arith.constant 0 : i32
    %dma_start3A_40 = arith.constant 0 : i32
    %dma_start3A_41 = tpu.memref_slice %arg2[%dma_start3A_39, %dma_start3A_40] : memref<10240x144xf32, #tpu.memory_space<hbm>> -> memref<10240x144xf32, #tpu.memory_space<hbm>>
    tpu.enqueue_indirect_dma source(%dma_start3A_41 : memref<10240x144xf32, #tpu.memory_space<hbm>>) target(%arg9 : memref<64x144xf32, #tpu.memory_space<vmem>>) offsets(%dma_start3A_38 : memref<64xi32, #tpu.memory_space<vmem>>) semaphore(%arg12 : memref<!tpu.dma_semaphore, #tpu.memory_space<semaphore_mem>>)
    %while3A_42 = arith.constant 0 : i32
    %while3A_43 = arith.constant 0 : i32
    %while3A_44 = arith.subi %select_n3A_7, %while3A_43 : i32
    %while3A_45 = arith.addi %while3A_43, %while3A_44 : i32
    %while3A_46 = arith.constant 1 : i32
    %while3A_47 = arith.divsi %while3A_44, %while3A_46 : i32
    %while3A_48 = arith.muli %while3A_47, %while3A_46 : i32
    %while3A_49 = arith.addi %while3A_43, %while3A_48 : i32
    %while3A_50 = arith.constant 1 : i32
    scf.for %while3A_60 = %while3A_43 to %while3A_49 step %while3A_50  : i32 {
      %mul3A_61 = arith.constant 2 : i32
      %mul3A_62 = arith.muli %mul3A_61, %while3A_60 : i32
      %dma_wait3A = arith.constant 0 : i32
      %dma_wait3A_63 = tpu.memref_slice %arg7[%mul3A_62, %dma_wait3A] : memref<106x64xi32, #tpu.memory_space<vmem>> -> memref<1x64xi32, #tpu.memory_space<vmem>>
      %dma_wait3A_64 = tpu.memref_squeeze %dma_wait3A_63 : memref<1x64xi32, #tpu.memory_space<vmem>> -> memref<64xi32, #tpu.memory_space<vmem>>
      %dma_wait3A_65 = arith.constant 0 : i32
      %dma_wait3A_66 = arith.constant 0 : i32
      %dma_wait3A_67 = tpu.memref_slice %arg2[%dma_wait3A_65, %dma_wait3A_66] : memref<10240x144xf32, #tpu.memory_space<hbm>> -> memref<10240x144xf32, #tpu.memory_space<hbm>>
      tpu.wait_indirect_dma semaphore(%arg12 : memref<!tpu.dma_semaphore, #tpu.memory_space<semaphore_mem>>) src(%dma_wait3A_67 : memref<10240x144xf32, #tpu.memory_space<hbm>>) dst(%arg9 : memref<64x144xf32, #tpu.memory_space<vmem>>)
      %add3A_68 = arith.constant 1 : i32
      %add3A_69 = arith.addi %mul3A_62, %add3A_68 : i32
      %dma_start3A_70 = arith.constant 0 : i32
      %dma_start3A_71 = tpu.memref_slice %arg7[%add3A_69, %dma_start3A_70] : memref<106x64xi32, #tpu.memory_space<vmem>> -> memref<1x64xi32, #tpu.memory_space<vmem>>
      %dma_start3A_72 = tpu.memref_squeeze %dma_start3A_71 : memref<1x64xi32, #tpu.memory_space<vmem>> -> memref<64xi32, #tpu.memory_space<vmem>>
      %dma_start3A_73 = arith.constant 0 : i32
      %dma_start3A_74 = arith.constant 0 : i32
      %dma_start3A_75 = tpu.memref_slice %arg2[%dma_start3A_73, %dma_start3A_74] : memref<10240x144xf32, #tpu.memory_space<hbm>> -> memref<10240x144xf32, #tpu.memory_space<hbm>>
      tpu.enqueue_indirect_dma source(%dma_start3A_75 : memref<10240x144xf32, #tpu.memory_space<hbm>>) target(%arg10 : memref<64x144xf32, #tpu.memory_space<vmem>>) offsets(%dma_start3A_72 : memref<64xi32, #tpu.memory_space<vmem>>) semaphore(%arg12 : memref<!tpu.dma_semaphore, #tpu.memory_space<semaphore_mem>>)
      "tpu.region"() ({
        %run_scoped3A = tpu.sem_alloc : memref<!tpu.dma_semaphore, #tpu.memory_space<semaphore_mem>>
        %dma_start3A_89 = arith.constant 0 : i32
        %dma_start3A_90 = tpu.memref_slice %arg8[%mul3A_62, %dma_start3A_89] : memref<106x64xi32, #tpu.memory_space<vmem>> -> memref<1x64xi32, #tpu.memory_space<vmem>>
        %dma_start3A_91 = tpu.memref_squeeze %dma_start3A_90 : memref<1x64xi32, #tpu.memory_space<vmem>> -> memref<64xi32, #tpu.memory_space<vmem>>
        %dma_start3A_92 = arith.constant 0 : i32
        %dma_start3A_93 = arith.constant 0 : i32
        %dma_start3A_94 = tpu.memref_slice %arg11[%dma_start3A_92, %dma_start3A_93] : memref<10016x144xf32, #tpu.memory_space<vmem_shared>> -> memref<10016x144xf32, #tpu.memory_space<vmem_shared>>
        tpu.enqueue_indirect_dma source(%arg9 : memref<64x144xf32, #tpu.memory_space<vmem>>) target(%dma_start3A_94 : memref<10016x144xf32, #tpu.memory_space<vmem_shared>>) offsets(%dma_start3A_91 : memref<64xi32, #tpu.memory_space<vmem>>) semaphore(%run_scoped3A : memref<!tpu.dma_semaphore, #tpu.memory_space<semaphore_mem>>) {add = true}
        %dma_wait3A_95 = arith.constant 0 : i32
        %dma_wait3A_96 = tpu.memref_slice %arg8[%mul3A_62, %dma_wait3A_95] : memref<106x64xi32, #tpu.memory_space<vmem>> -> memref<1x64xi32, #tpu.memory_space<vmem>>
        %dma_wait3A_97 = tpu.memref_squeeze %dma_wait3A_96 : memref<1x64xi32, #tpu.memory_space<vmem>> -> memref<64xi32, #tpu.memory_space<vmem>>
        %dma_wait3A_98 = arith.constant 0 : i32
        %dma_wait3A_99 = arith.constant 0 : i32
        %dma_wait3A_100 = tpu.memref_slice %arg11[%dma_wait3A_98, %dma_wait3A_99] : memref<10016x144xf32, #tpu.memory_space<vmem_shared>> -> memref<10016x144xf32, #tpu.memory_space<vmem_shared>>
        tpu.wait_indirect_dma semaphore(%run_scoped3A : memref<!tpu.dma_semaphore, #tpu.memory_space<semaphore_mem>>) src(%arg9 : memref<64x144xf32, #tpu.memory_space<vmem>>) dst(%dma_wait3A_100 : memref<10016x144xf32, #tpu.memory_space<vmem_shared>>)
        tpu.yield
      }) : () -> ()
      %add3A_76 = arith.constant 1 : i32
      %add3A_77 = arith.addi %mul3A_62, %add3A_76 : i32
      %dma_wait3A_78 = arith.constant 0 : i32
      %dma_wait3A_79 = tpu.memref_slice %arg7[%add3A_77, %dma_wait3A_78] : memref<106x64xi32, #tpu.memory_space<vmem>> -> memref<1x64xi32, #tpu.memory_space<vmem>>
      %dma_wait3A_80 = tpu.memref_squeeze %dma_wait3A_79 : memref<1x64xi32, #tpu.memory_space<vmem>> -> memref<64xi32, #tpu.memory_space<vmem>>
      %dma_wait3A_81 = arith.constant 0 : i32
      %dma_wait3A_82 = arith.constant 0 : i32
      %dma_wait3A_83 = tpu.memref_slice %arg2[%dma_wait3A_81, %dma_wait3A_82] : memref<10240x144xf32, #tpu.memory_space<hbm>> -> memref<10240x144xf32, #tpu.memory_space<hbm>>
      tpu.wait_indirect_dma semaphore(%arg12 : memref<!tpu.dma_semaphore, #tpu.memory_space<semaphore_mem>>) src(%dma_wait3A_83 : memref<10240x144xf32, #tpu.memory_space<hbm>>) dst(%arg10 : memref<64x144xf32, #tpu.memory_space<vmem>>)
      %add3A_84 = arith.constant 2 : i32
      %add3A_85 = arith.addi %mul3A_62, %add3A_84 : i32
      %lt3A = arith.cmpi slt, %add3A_85, %select_n3A : i32
      %convert_element_type3A = arith.extui %lt3A : i1 to i32
      %cond3A = arith.constant 0 : i32
      %cond3A_86 = arith.cmpi ne, %convert_element_type3A, %cond3A : i32
      scf.if %cond3A_86 {
        %add3A_89 = arith.constant 2 : i32
        %add3A_90 = arith.addi %mul3A_62, %add3A_89 : i32
        %dma_start3A_91 = arith.constant 0 : i32
        %dma_start3A_92 = tpu.memref_slice %arg7[%add3A_90, %dma_start3A_91] : memref<106x64xi32, #tpu.memory_space<vmem>> -> memref<1x64xi32, #tpu.memory_space<vmem>>
        %dma_start3A_93 = tpu.memref_squeeze %dma_start3A_92 : memref<1x64xi32, #tpu.memory_space<vmem>> -> memref<64xi32, #tpu.memory_space<vmem>>
        %dma_start3A_94 = arith.constant 0 : i32
        %dma_start3A_95 = arith.constant 0 : i32
        %dma_start3A_96 = tpu.memref_slice %arg2[%dma_start3A_94, %dma_start3A_95] : memref<10240x144xf32, #tpu.memory_space<hbm>> -> memref<10240x144xf32, #tpu.memory_space<hbm>>
        tpu.enqueue_indirect_dma source(%dma_start3A_96 : memref<10240x144xf32, #tpu.memory_space<hbm>>) target(%arg9 : memref<64x144xf32, #tpu.memory_space<vmem>>) offsets(%dma_start3A_93 : memref<64xi32, #tpu.memory_space<vmem>>) semaphore(%arg12 : memref<!tpu.dma_semaphore, #tpu.memory_space<semaphore_mem>>)
      } else {
      }
      %add3A_87 = arith.constant 1 : i32
      %add3A_88 = arith.addi %mul3A_62, %add3A_87 : i32
      "tpu.region"() ({
        %run_scoped3A = tpu.sem_alloc : memref<!tpu.dma_semaphore, #tpu.memory_space<semaphore_mem>>
        %dma_start3A_89 = arith.constant 0 : i32
        %dma_start3A_90 = tpu.memref_slice %arg8[%add3A_88, %dma_start3A_89] : memref<106x64xi32, #tpu.memory_space<vmem>> -> memref<1x64xi32, #tpu.memory_space<vmem>>
        %dma_start3A_91 = tpu.memref_squeeze %dma_start3A_90 : memref<1x64xi32, #tpu.memory_space<vmem>> -> memref<64xi32, #tpu.memory_space<vmem>>
        %dma_start3A_92 = arith.constant 0 : i32
        %dma_start3A_93 = arith.constant 0 : i32
        %dma_start3A_94 = tpu.memref_slice %arg11[%dma_start3A_92, %dma_start3A_93] : memref<10016x144xf32, #tpu.memory_space<vmem_shared>> -> memref<10016x144xf32, #tpu.memory_space<vmem_shared>>
        tpu.enqueue_indirect_dma source(%arg10 : memref<64x144xf32, #tpu.memory_space<vmem>>) target(%dma_start3A_94 : memref<10016x144xf32, #tpu.memory_space<vmem_shared>>) offsets(%dma_start3A_91 : memref<64xi32, #tpu.memory_space<vmem>>) semaphore(%run_scoped3A : memref<!tpu.dma_semaphore, #tpu.memory_space<semaphore_mem>>) {add = true}
        %dma_wait3A_95 = arith.constant 0 : i32
        %dma_wait3A_96 = tpu.memref_slice %arg8[%add3A_88, %dma_wait3A_95] : memref<106x64xi32, #tpu.memory_space<vmem>> -> memref<1x64xi32, #tpu.memory_space<vmem>>
        %dma_wait3A_97 = tpu.memref_squeeze %dma_wait3A_96 : memref<1x64xi32, #tpu.memory_space<vmem>> -> memref<64xi32, #tpu.memory_space<vmem>>
        %dma_wait3A_98 = arith.constant 0 : i32
        %dma_wait3A_99 = arith.constant 0 : i32
        %dma_wait3A_100 = tpu.memref_slice %arg11[%dma_wait3A_98, %dma_wait3A_99] : memref<10016x144xf32, #tpu.memory_space<vmem_shared>> -> memref<10016x144xf32, #tpu.memory_space<vmem_shared>>
        tpu.wait_indirect_dma semaphore(%run_scoped3A : memref<!tpu.dma_semaphore, #tpu.memory_space<semaphore_mem>>) src(%arg10 : memref<64x144xf32, #tpu.memory_space<vmem>>) dst(%dma_wait3A_100 : memref<10016x144xf32, #tpu.memory_space<vmem_shared>>)
        tpu.yield
      }) : () -> ()
    }
    %while3A_51 = arith.constant 1 : i32
    scf.for %while3A_60 = %while3A_49 to %while3A_45 step %while3A_51  : i32 {
      %mul3A_61 = arith.constant 2 : i32
      %mul3A_62 = arith.muli %mul3A_61, %while3A_60 : i32
      %dma_wait3A = arith.constant 0 : i32
      %dma_wait3A_63 = tpu.memref_slice %arg7[%mul3A_62, %dma_wait3A] : memref<106x64xi32, #tpu.memory_space<vmem>> -> memref<1x64xi32, #tpu.memory_space<vmem>>
      %dma_wait3A_64 = tpu.memref_squeeze %dma_wait3A_63 : memref<1x64xi32, #tpu.memory_space<vmem>> -> memref<64xi32, #tpu.memory_space<vmem>>
      %dma_wait3A_65 = arith.constant 0 : i32
      %dma_wait3A_66 = arith.constant 0 : i32
      %dma_wait3A_67 = tpu.memref_slice %arg2[%dma_wait3A_65, %dma_wait3A_66] : memref<10240x144xf32, #tpu.memory_space<hbm>> -> memref<10240x144xf32, #tpu.memory_space<hbm>>
      tpu.wait_indirect_dma semaphore(%arg12 : memref<!tpu.dma_semaphore, #tpu.memory_space<semaphore_mem>>) src(%dma_wait3A_67 : memref<10240x144xf32, #tpu.memory_space<hbm>>) dst(%arg9 : memref<64x144xf32, #tpu.memory_space<vmem>>)
      %add3A_68 = arith.constant 1 : i32
      %add3A_69 = arith.addi %mul3A_62, %add3A_68 : i32
      %dma_start3A_70 = arith.constant 0 : i32
      %dma_start3A_71 = tpu.memref_slice %arg7[%add3A_69, %dma_start3A_70] : memref<106x64xi32, #tpu.memory_space<vmem>> -> memref<1x64xi32, #tpu.memory_space<vmem>>
      %dma_start3A_72 = tpu.memref_squeeze %dma_start3A_71 : memref<1x64xi32, #tpu.memory_space<vmem>> -> memref<64xi32, #tpu.memory_space<vmem>>
      %dma_start3A_73 = arith.constant 0 : i32
      %dma_start3A_74 = arith.constant 0 : i32
      %dma_start3A_75 = tpu.memref_slice %arg2[%dma_start3A_73, %dma_start3A_74] : memref<10240x144xf32, #tpu.memory_space<hbm>> -> memref<10240x144xf32, #tpu.memory_space<hbm>>
      tpu.enqueue_indirect_dma source(%dma_start3A_75 : memref<10240x144xf32, #tpu.memory_space<hbm>>) target(%arg10 : memref<64x144xf32, #tpu.memory_space<vmem>>) offsets(%dma_start3A_72 : memref<64xi32, #tpu.memory_space<vmem>>) semaphore(%arg12 : memref<!tpu.dma_semaphore, #tpu.memory_space<semaphore_mem>>)
      "tpu.region"() ({
        %run_scoped3A = tpu.sem_alloc : memref<!tpu.dma_semaphore, #tpu.memory_space<semaphore_mem>>
        %dma_start3A_89 = arith.constant 0 : i32
        %dma_start3A_90 = tpu.memref_slice %arg8[%mul3A_62, %dma_start3A_89] : memref<106x64xi32, #tpu.memory_space<vmem>> -> memref<1x64xi32, #tpu.memory_space<vmem>>
        %dma_start3A_91 = tpu.memref_squeeze %dma_start3A_90 : memref<1x64xi32, #tpu.memory_space<vmem>> -> memref<64xi32, #tpu.memory_space<vmem>>
        %dma_start3A_92 = arith.constant 0 : i32
        %dma_start3A_93 = arith.constant 0 : i32
        %dma_start3A_94 = tpu.memref_slice %arg11[%dma_start3A_92, %dma_start3A_93] : memref<10016x144xf32, #tpu.memory_space<vmem_shared>> -> memref<10016x144xf32, #tpu.memory_space<vmem_shared>>
        tpu.enqueue_indirect_dma source(%arg9 : memref<64x144xf32, #tpu.memory_space<vmem>>) target(%dma_start3A_94 : memref<10016x144xf32, #tpu.memory_space<vmem_shared>>) offsets(%dma_start3A_91 : memref<64xi32, #tpu.memory_space<vmem>>) semaphore(%run_scoped3A : memref<!tpu.dma_semaphore, #tpu.memory_space<semaphore_mem>>) {add = true}
        %dma_wait3A_95 = arith.constant 0 : i32
        %dma_wait3A_96 = tpu.memref_slice %arg8[%mul3A_62, %dma_wait3A_95] : memref<106x64xi32, #tpu.memory_space<vmem>> -> memref<1x64xi32, #tpu.memory_space<vmem>>
        %dma_wait3A_97 = tpu.memref_squeeze %dma_wait3A_96 : memref<1x64xi32, #tpu.memory_space<vmem>> -> memref<64xi32, #tpu.memory_space<vmem>>
        %dma_wait3A_98 = arith.constant 0 : i32
        %dma_wait3A_99 = arith.constant 0 : i32
        %dma_wait3A_100 = tpu.memref_slice %arg11[%dma_wait3A_98, %dma_wait3A_99] : memref<10016x144xf32, #tpu.memory_space<vmem_shared>> -> memref<10016x144xf32, #tpu.memory_space<vmem_shared>>
        tpu.wait_indirect_dma semaphore(%run_scoped3A : memref<!tpu.dma_semaphore, #tpu.memory_space<semaphore_mem>>) src(%arg9 : memref<64x144xf32, #tpu.memory_space<vmem>>) dst(%dma_wait3A_100 : memref<10016x144xf32, #tpu.memory_space<vmem_shared>>)
        tpu.yield
      }) : () -> ()
      %add3A_76 = arith.constant 1 : i32
      %add3A_77 = arith.addi %mul3A_62, %add3A_76 : i32
      %dma_wait3A_78 = arith.constant 0 : i32
      %dma_wait3A_79 = tpu.memref_slice %arg7[%add3A_77, %dma_wait3A_78] : memref<106x64xi32, #tpu.memory_space<vmem>> -> memref<1x64xi32, #tpu.memory_space<vmem>>
      %dma_wait3A_80 = tpu.memref_squeeze %dma_wait3A_79 : memref<1x64xi32, #tpu.memory_space<vmem>> -> memref<64xi32, #tpu.memory_space<vmem>>
      %dma_wait3A_81 = arith.constant 0 : i32
      %dma_wait3A_82 = arith.constant 0 : i32
      %dma_wait3A_83 = tpu.memref_slice %arg2[%dma_wait3A_81, %dma_wait3A_82] : memref<10240x144xf32, #tpu.memory_space<hbm>> -> memref<10240x144xf32, #tpu.memory_space<hbm>>
      tpu.wait_indirect_dma semaphore(%arg12 : memref<!tpu.dma_semaphore, #tpu.memory_space<semaphore_mem>>) src(%dma_wait3A_83 : memref<10240x144xf32, #tpu.memory_space<hbm>>) dst(%arg10 : memref<64x144xf32, #tpu.memory_space<vmem>>)
      %add3A_84 = arith.constant 2 : i32
      %add3A_85 = arith.addi %mul3A_62, %add3A_84 : i32
      %lt3A = arith.cmpi slt, %add3A_85, %select_n3A : i32
      %convert_element_type3A = arith.extui %lt3A : i1 to i32
      %cond3A = arith.constant 0 : i32
      %cond3A_86 = arith.cmpi ne, %convert_element_type3A, %cond3A : i32
      scf.if %cond3A_86 {
        %add3A_89 = arith.constant 2 : i32
        %add3A_90 = arith.addi %mul3A_62, %add3A_89 : i32
        %dma_start3A_91 = arith.constant 0 : i32
        %dma_start3A_92 = tpu.memref_slice %arg7[%add3A_90, %dma_start3A_91] : memref<106x64xi32, #tpu.memory_space<vmem>> -> memref<1x64xi32, #tpu.memory_space<vmem>>
        %dma_start3A_93 = tpu.memref_squeeze %dma_start3A_92 : memref<1x64xi32, #tpu.memory_space<vmem>> -> memref<64xi32, #tpu.memory_space<vmem>>
        %dma_start3A_94 = arith.constant 0 : i32
        %dma_start3A_95 = arith.constant 0 : i32
        %dma_start3A_96 = tpu.memref_slice %arg2[%dma_start3A_94, %dma_start3A_95] : memref<10240x144xf32, #tpu.memory_space<hbm>> -> memref<10240x144xf32, #tpu.memory_space<hbm>>
        tpu.enqueue_indirect_dma source(%dma_start3A_96 : memref<10240x144xf32, #tpu.memory_space<hbm>>) target(%arg9 : memref<64x144xf32, #tpu.memory_space<vmem>>) offsets(%dma_start3A_93 : memref<64xi32, #tpu.memory_space<vmem>>) semaphore(%arg12 : memref<!tpu.dma_semaphore, #tpu.memory_space<semaphore_mem>>)
      } else {
      }
      %add3A_87 = arith.constant 1 : i32
      %add3A_88 = arith.addi %mul3A_62, %add3A_87 : i32
      "tpu.region"() ({
        %run_scoped3A = tpu.sem_alloc : memref<!tpu.dma_semaphore, #tpu.memory_space<semaphore_mem>>
        %dma_start3A_89 = arith.constant 0 : i32
        %dma_start3A_90 = tpu.memref_slice %arg8[%add3A_88, %dma_start3A_89] : memref<106x64xi32, #tpu.memory_space<vmem>> -> memref<1x64xi32, #tpu.memory_space<vmem>>
        %dma_start3A_91 = tpu.memref_squeeze %dma_start3A_90 : memref<1x64xi32, #tpu.memory_space<vmem>> -> memref<64xi32, #tpu.memory_space<vmem>>
        %dma_start3A_92 = arith.constant 0 : i32
        %dma_start3A_93 = arith.constant 0 : i32
        %dma_start3A_94 = tpu.memref_slice %arg11[%dma_start3A_92, %dma_start3A_93] : memref<10016x144xf32, #tpu.memory_space<vmem_shared>> -> memref<10016x144xf32, #tpu.memory_space<vmem_shared>>
        tpu.enqueue_indirect_dma source(%arg10 : memref<64x144xf32, #tpu.memory_space<vmem>>) target(%dma_start3A_94 : memref<10016x144xf32, #tpu.memory_space<vmem_shared>>) offsets(%dma_start3A_91 : memref<64xi32, #tpu.memory_space<vmem>>) semaphore(%run_scoped3A : memref<!tpu.dma_semaphore, #tpu.memory_space<semaphore_mem>>) {add = true}
        %dma_wait3A_95 = arith.constant 0 : i32
        %dma_wait3A_96 = tpu.memref_slice %arg8[%add3A_88, %dma_wait3A_95] : memref<106x64xi32, #tpu.memory_space<vmem>> -> memref<1x64xi32, #tpu.memory_space<vmem>>
        %dma_wait3A_97 = tpu.memref_squeeze %dma_wait3A_96 : memref<1x64xi32, #tpu.memory_space<vmem>> -> memref<64xi32, #tpu.memory_space<vmem>>
        %dma_wait3A_98 = arith.constant 0 : i32
        %dma_wait3A_99 = arith.constant 0 : i32
        %dma_wait3A_100 = tpu.memref_slice %arg11[%dma_wait3A_98, %dma_wait3A_99] : memref<10016x144xf32, #tpu.memory_space<vmem_shared>> -> memref<10016x144xf32, #tpu.memory_space<vmem_shared>>
        tpu.wait_indirect_dma semaphore(%run_scoped3A : memref<!tpu.dma_semaphore, #tpu.memory_space<semaphore_mem>>) src(%arg10 : memref<64x144xf32, #tpu.memory_space<vmem>>) dst(%dma_wait3A_100 : memref<10016x144xf32, #tpu.memory_space<vmem_shared>>)
        tpu.yield
      }) : () -> ()
    }
    %barrier3A_52 = arith.constant 0 : index
    tpu.barrier barrier_id(%barrier3A_52)
    %mul3A_53 = arith.constant 626 : i32
    %mul3A_54 = arith.muli %arg1, %mul3A_53 : i32
    %mul3A_55 = arith.constant 10016 : i32
    %mul3A_56 = arith.muli %arg0, %mul3A_55 : i32
    %mul3A_57 = arith.constant 626 : i32
    %mul3A_58 = arith.muli %arg1, %mul3A_57 : i32
    %add3A_59 = arith.addi %mul3A_56, %mul3A_58 : i32
    "tpu.region"() ({
      %run_scoped3A = tpu.sem_alloc : memref<!tpu.dma_semaphore, #tpu.memory_space<semaphore_mem>>
      %dma_start3A_60 = arith.constant 0 : i32
      %dma_start3A_61 = tpu.memref_slice %arg6[%add3A_59, %dma_start3A_60] : memref<20032x144xf32, #tpu.memory_space<hbm>> -> memref<626x144xf32, #tpu.memory_space<hbm>>
      %dma_start3A_62 = arith.constant 0 : i32
      %dma_start3A_63 = tpu.memref_slice %arg11[%mul3A_54, %dma_start3A_62] : memref<10016x144xf32, #tpu.memory_space<vmem_shared>> -> memref<626x144xf32, #tpu.memory_space<vmem_shared>>
      tpu.enqueue_dma source(%dma_start3A_63 : memref<626x144xf32, #tpu.memory_space<vmem_shared>>) target(%dma_start3A_61 : memref<626x144xf32, #tpu.memory_space<hbm>>) target_semaphore(%run_scoped3A : memref<!tpu.dma_semaphore, #tpu.memory_space<semaphore_mem>>)
      %dma_wait3A = arith.constant 0 : i32
      %dma_wait3A_64 = tpu.memref_slice %arg6[%add3A_59, %dma_wait3A] : memref<20032x144xf32, #tpu.memory_space<hbm>> -> memref<626x144xf32, #tpu.memory_space<hbm>>
      %dma_wait3A_65 = arith.constant 0 : i32
      %dma_wait3A_66 = tpu.memref_slice %arg11[%mul3A_54, %dma_wait3A_65] : memref<10016x144xf32, #tpu.memory_space<vmem_shared>> -> memref<626x144xf32, #tpu.memory_space<vmem_shared>>
      tpu.wait_dma2 semaphore(%run_scoped3A : memref<!tpu.dma_semaphore, #tpu.memory_space<semaphore_mem>>) src(%dma_wait3A_66 : memref<626x144xf32, #tpu.memory_space<vmem_shared>>) dst(%dma_wait3A_64 : memref<626x144xf32, #tpu.memory_space<hbm>>)
      tpu.yield
    }) : () -> ()
    return
  }
}

module attributes {stable_mosaic.version = 14 : i64} {
  func.func @_k1_body(%arg0: i32, %arg1: memref<640x128xf32, #tpu.memory_space<vmem>>, %arg2: memref<128x128xf32, #tpu.memory_space<vmem>>, %arg3: memref<640x144xf32, #tpu.memory_space<vmem>>) attributes {dimension_semantics = [#tpu.dimension_semantics<arbitrary>], iteration_bounds = array<i64: 16>, scalar_prefetch = 0 : i64, scratch_operands = 0 : i64, tpu.core_type = #tpu.core_type<tc>, window_params = [{transform_indices = @transform_0, window_bounds = array<i64: 640, 128>}, {pipeline_mode = #tpu.pipeline_mode<synchronous>, transform_indices = @transform_1, window_bounds = array<i64: 128, 128>}, {transform_indices = @transform_2, window_bounds = array<i64: 640, 144>}]} {
    %get3A = arith.constant 0 : index
    %get3A_0 = arith.constant 0 : index
    %get3A_1 = vector.load %arg1[%get3A, %get3A_0] : memref<640x128xf32, #tpu.memory_space<vmem>>, vector<640x128xf32>
    %get3A_2 = arith.constant 0 : index
    %get3A_3 = arith.constant 0 : index
    %get3A_4 = vector.load %arg2[%get3A_2, %get3A_3] : memref<128x128xf32, #tpu.memory_space<vmem>>, vector<128x128xf32>
    %dot_general3A = arith.constant dense<0.000000e+00> : vector<640x128xf32>
    %dot_general3A_5 = tpu.matmul %get3A_1, %get3A_4, %dot_general3A {dimension_numbers = #tpu.dot_dimension_numbers<[1], [0], [0], [1], [0, 0, 1, 1], [], []>, transpose_lhs_hint = false} : vector<640x128xf32>, vector<128x128xf32>, vector<640x128xf32> -> vector<640x128xf32>
    %iota3A = tpu.iota {dimensions = array<i32: 1>} : vector<640x16xi32>
    %eq3A = arith.constant 0 : i32
    %eq3A_6 = vector.broadcast %eq3A : i32 to vector<640x16xi32>
    %eq3A_7 = arith.cmpi eq, %iota3A, %eq3A_6 : vector<640x16xi32>
    %convert_element_type3A = arith.extui %eq3A_7 : vector<640x16xi1> to vector<640x16xi32>
    %convert_element_type3A_8 = arith.sitofp %convert_element_type3A : vector<640x16xi32> to vector<640x16xf32>
    %concatenate3A = tpu.concatenate %dot_general3A_5, %convert_element_type3A_8 in 1 : vector<640x128xf32>, vector<640x16xf32> -> vector<640x144xf32>
    %swap3A = arith.constant 0 : index
    %swap3A_9 = arith.constant 0 : index
    %swap3A_10 = vector.load %arg3[%swap3A, %swap3A_9] : memref<640x144xf32, #tpu.memory_space<vmem>>, vector<640x144xf32>
    tpu.vector_store %arg3[%swap3A, %swap3A_9], %concatenate3A {strides = array<i32>} : memref<640x144xf32, #tpu.memory_space<vmem>>, vector<640x144xf32>,
    return
  }
  func.func @transform_0(%arg0: i32) -> (i32, i32) {
    %c0_i32 = arith.constant 0 : i32
    %c0_i32_0 = arith.constant 0 : i32
    return %arg0, %c0_i32 : i32, i32
  }
  func.func @transform_1(%arg0: i32) -> (i32, i32) {
    %c0_i32 = arith.constant 0 : i32
    %c0_i32_0 = arith.constant 0 : i32
    %c0_i32_1 = arith.constant 0 : i32
    return %c0_i32, %c0_i32_0 : i32, i32
  }
  func.func @transform_2(%arg0: i32) -> (i32, i32) {
    %c0_i32 = arith.constant 0 : i32
    %c0_i32_0 = arith.constant 0 : i32
    return %arg0, %c0_i32 : i32, i32
  }
}

module attributes {stable_mosaic.version = 14 : i64} {
  func.func @_k2_body(%arg0: i32, %arg1: memref<2x640x144xf32, #tpu.memory_space<vmem>>, %arg2: memref<128x128xf32, #tpu.memory_space<vmem>>, %arg3: memref<640x144xf32, #tpu.memory_space<vmem>>) attributes {dimension_semantics = [#tpu.dimension_semantics<arbitrary>], iteration_bounds = array<i64: 16>, scalar_prefetch = 0 : i64, scratch_operands = 0 : i64, tpu.core_type = #tpu.core_type<tc>, window_params = [{transform_indices = @transform_0, window_bounds = array<i64: 2, 640, 144>}, {pipeline_mode = #tpu.pipeline_mode<synchronous>, transform_indices = @transform_1, window_bounds = array<i64: 128, 128>}, {transform_indices = @transform_2, window_bounds = array<i64: 640, 144>}]} {
    %get3A = arith.constant 0 : index
    %get3A_0 = arith.constant 0 : index
    %get3A_1 = arith.constant 0 : index
    %get3A_2 = vector.load %arg1[%get3A, %get3A_0, %get3A_1] : memref<2x640x144xf32, #tpu.memory_space<vmem>>, vector<1x640x144xf32>
    %get3A_3 = vector.shape_cast %get3A_2 : vector<1x640x144xf32> to vector<640x144xf32>
    %get3A_4 = arith.constant 1 : index
    %get3A_5 = arith.constant 0 : index
    %get3A_6 = arith.constant 0 : index
    %get3A_7 = vector.load %arg1[%get3A_4, %get3A_5, %get3A_6] : memref<2x640x144xf32, #tpu.memory_space<vmem>>, vector<1x640x144xf32>
    %get3A_8 = vector.shape_cast %get3A_7 : vector<1x640x144xf32> to vector<640x144xf32>
    %add3A = arith.addf %get3A_3, %get3A_8 : vector<640x144xf32>
    %slice3A = vector.extract_strided_slice %add3A {offsets = [0, 0], sizes = [640, 128], strides = [1, 1]} : vector<640x144xf32> to vector<640x128xf32>
    %slice3A_9 = vector.extract_strided_slice %add3A {offsets = [0, 128], sizes = [640, 1], strides = [1, 1]} : vector<640x144xf32> to vector<640x1xf32>
    %max3A = arith.constant 1.000000e+00 : f32
    %max3A_10 = vector.broadcast %max3A : f32 to vector<640x1xf32>
    %max3A_11 = arith.maximumf %slice3A_9, %max3A_10 : vector<640x1xf32>
    %div3A = vector.broadcast %max3A_11 : vector<640x1xf32> to vector<640x128xf32>
    %div3A_12 = arith.divf %slice3A, %div3A : vector<640x128xf32>
    %get3A_13 = arith.constant 0 : index
    %get3A_14 = arith.constant 0 : index
    %get3A_15 = vector.load %arg2[%get3A_13, %get3A_14] : memref<128x128xf32, #tpu.memory_space<vmem>>, vector<128x128xf32>
    %dot_general3A = arith.constant dense<0.000000e+00> : vector<640x128xf32>
    %dot_general3A_16 = tpu.matmul %div3A_12, %get3A_15, %dot_general3A {dimension_numbers = #tpu.dot_dimension_numbers<[1], [0], [0], [1], [0, 0, 1, 1], [], []>, transpose_lhs_hint = false} : vector<640x128xf32>, vector<128x128xf32>, vector<640x128xf32> -> vector<640x128xf32>
    %iota3A = tpu.iota {dimensions = array<i32: 1>} : vector<640x16xi32>
    %eq3A = arith.constant 0 : i32
    %eq3A_17 = vector.broadcast %eq3A : i32 to vector<640x16xi32>
    %eq3A_18 = arith.cmpi eq, %iota3A, %eq3A_17 : vector<640x16xi32>
    %convert_element_type3A = arith.extui %eq3A_18 : vector<640x16xi1> to vector<640x16xi32>
    %convert_element_type3A_19 = arith.sitofp %convert_element_type3A : vector<640x16xi32> to vector<640x16xf32>
    %concatenate3A = tpu.concatenate %dot_general3A_16, %convert_element_type3A_19 in 1 : vector<640x128xf32>, vector<640x16xf32> -> vector<640x144xf32>
    %swap3A = arith.constant 0 : index
    %swap3A_20 = arith.constant 0 : index
    %swap3A_21 = vector.load %arg3[%swap3A, %swap3A_20] : memref<640x144xf32, #tpu.memory_space<vmem>>, vector<640x144xf32>
    tpu.vector_store %arg3[%swap3A, %swap3A_20], %concatenate3A {strides = array<i32>} : memref<640x144xf32, #tpu.memory_space<vmem>>, vector<640x144xf32>,
    return
  }
  func.func @transform_0(%arg0: i32) -> (i32, i32, i32) {
    %c0_i32 = arith.constant 0 : i32
    %c0_i32_0 = arith.constant 0 : i32
    %c0_i32_1 = arith.constant 0 : i32
    return %c0_i32, %arg0, %c0_i32_0 : i32, i32, i32
  }
  func.func @transform_1(%arg0: i32) -> (i32, i32) {
    %c0_i32 = arith.constant 0 : i32
    %c0_i32_0 = arith.constant 0 : i32
    %c0_i32_1 = arith.constant 0 : i32
    return %c0_i32, %c0_i32_0 : i32, i32
  }
  func.func @transform_2(%arg0: i32) -> (i32, i32) {
    %c0_i32 = arith.constant 0 : i32
    %c0_i32_0 = arith.constant 0 : i32
    return %arg0, %c0_i32 : i32, i32
  }
}

module attributes {stable_mosaic.version = 14 : i64} {
  func.func @_k3_body(%arg0: i32, %arg1: memref<640x144xf32, #tpu.memory_space<vmem>>, %arg2: memref<2x640x144xf32, #tpu.memory_space<vmem>>, %arg3: memref<256x128xf32, #tpu.memory_space<vmem>>, %arg4: memref<1x128xf32, #tpu.memory_space<vmem>>, %arg5: memref<640x128xf32, #tpu.memory_space<vmem>>) attributes {dimension_semantics = [#tpu.dimension_semantics<arbitrary>], iteration_bounds = array<i64: 16>, scalar_prefetch = 0 : i64, scratch_operands = 0 : i64, tpu.core_type = #tpu.core_type<tc>, window_params = [{transform_indices = @transform_0, window_bounds = array<i64: 640, 144>}, {transform_indices = @transform_1, window_bounds = array<i64: 2, 640, 144>}, {pipeline_mode = #tpu.pipeline_mode<synchronous>, transform_indices = @transform_2, window_bounds = array<i64: 256, 128>}, {pipeline_mode = #tpu.pipeline_mode<synchronous>, transform_indices = @transform_3, window_bounds = array<i64: 1, 128>}, {transform_indices = @transform_4, window_bounds = array<i64: 640, 128>}]} {
    %get3A = arith.constant 0 : index
    %get3A_0 = arith.constant 0 : index
    %get3A_1 = arith.constant 0 : index
    %get3A_2 = vector.load %arg2[%get3A, %get3A_0, %get3A_1] : memref<2x640x144xf32, #tpu.memory_space<vmem>>, vector<1x640x144xf32>
    %get3A_3 = vector.shape_cast %get3A_2 : vector<1x640x144xf32> to vector<640x144xf32>
    %get3A_4 = arith.constant 1 : index
    %get3A_5 = arith.constant 0 : index
    %get3A_6 = arith.constant 0 : index
    %get3A_7 = vector.load %arg2[%get3A_4, %get3A_5, %get3A_6] : memref<2x640x144xf32, #tpu.memory_space<vmem>>, vector<1x640x144xf32>
    %get3A_8 = vector.shape_cast %get3A_7 : vector<1x640x144xf32> to vector<640x144xf32>
    %add3A = arith.addf %get3A_3, %get3A_8 : vector<640x144xf32>
    %slice3A = vector.extract_strided_slice %add3A {offsets = [0, 0], sizes = [640, 128], strides = [1, 1]} : vector<640x144xf32> to vector<640x128xf32>
    %slice3A_9 = vector.extract_strided_slice %add3A {offsets = [0, 128], sizes = [640, 1], strides = [1, 1]} : vector<640x144xf32> to vector<640x1xf32>
    %max3A = arith.constant 1.000000e+00 : f32
    %max3A_10 = vector.broadcast %max3A : f32 to vector<640x1xf32>
    %max3A_11 = arith.maximumf %slice3A_9, %max3A_10 : vector<640x1xf32>
    %div3A = vector.broadcast %max3A_11 : vector<640x1xf32> to vector<640x128xf32>
    %div3A_12 = arith.divf %slice3A, %div3A : vector<640x128xf32>
    %get3A_13 = arith.constant 0 : index
    %get3A_14 = arith.constant 0 : index
    %get3A_15 = vector.load %arg1[%get3A_13, %get3A_14] : memref<640x144xf32, #tpu.memory_space<vmem>>, vector<640x128xf32>
    %get3A_16 = arith.constant 0 : index
    %get3A_17 = arith.constant 0 : index
    %get3A_18 = vector.load %arg3[%get3A_16, %get3A_17] : memref<256x128xf32, #tpu.memory_space<vmem>>, vector<128x128xf32>
    %dot_general3A = arith.constant dense<0.000000e+00> : vector<640x128xf32>
    %dot_general3A_19 = tpu.matmul %get3A_15, %get3A_18, %dot_general3A {dimension_numbers = #tpu.dot_dimension_numbers<[1], [0], [0], [1], [0, 0, 1, 1], [], []>, transpose_lhs_hint = false} : vector<640x128xf32>, vector<128x128xf32>, vector<640x128xf32> -> vector<640x128xf32>
    %get3A_20 = arith.constant 128 : index
    %get3A_21 = arith.constant 0 : index
    %get3A_22 = vector.load %arg3[%get3A_20, %get3A_21] : memref<256x128xf32, #tpu.memory_space<vmem>>, vector<128x128xf32>
    %dot_general3A_23 = arith.constant dense<0.000000e+00> : vector<640x128xf32>
    %dot_general3A_24 = tpu.matmul %div3A_12, %get3A_22, %dot_general3A_23 {dimension_numbers = #tpu.dot_dimension_numbers<[1], [0], [0], [1], [0, 0, 1, 1], [], []>, transpose_lhs_hint = false} : vector<640x128xf32>, vector<128x128xf32>, vector<640x128xf32> -> vector<640x128xf32>
    %add3A_25 = arith.addf %dot_general3A_19, %dot_general3A_24 : vector<640x128xf32>
    %get3A_26 = arith.constant 0 : index
    %get3A_27 = arith.constant 0 : index
    %get3A_28 = vector.load %arg4[%get3A_26, %get3A_27] : memref<1x128xf32, #tpu.memory_space<vmem>>, vector<1x128xf32>
    %add3A_29 = vector.broadcast %get3A_28 : vector<1x128xf32> to vector<640x128xf32>
    %add3A_30 = arith.addf %add3A_25, %add3A_29 : vector<640x128xf32>
    %max3A_31 = arith.constant 0.000000e+00 : f32
    %max3A_32 = vector.broadcast %max3A_31 : f32 to vector<640x128xf32>
    %max3A_33 = arith.maximumf %add3A_30, %max3A_32 : vector<640x128xf32>
    %swap3A = arith.constant 0 : index
    %swap3A_34 = arith.constant 0 : index
    %swap3A_35 = vector.load %arg5[%swap3A, %swap3A_34] : memref<640x128xf32, #tpu.memory_space<vmem>>, vector<640x128xf32>
    tpu.vector_store %arg5[%swap3A, %swap3A_34], %max3A_33 {strides = array<i32>} : memref<640x128xf32, #tpu.memory_space<vmem>>, vector<640x128xf32>,
    return
  }
  func.func @transform_0(%arg0: i32) -> (i32, i32) {
    %c0_i32 = arith.constant 0 : i32
    %c0_i32_0 = arith.constant 0 : i32
    return %arg0, %c0_i32 : i32, i32
  }
  func.func @transform_1(%arg0: i32) -> (i32, i32, i32) {
    %c0_i32 = arith.constant 0 : i32
    %c0_i32_0 = arith.constant 0 : i32
    %c0_i32_1 = arith.constant 0 : i32
    return %c0_i32, %arg0, %c0_i32_0 : i32, i32, i32
  }
  func.func @transform_2(%arg0: i32) -> (i32, i32) {
    %c0_i32 = arith.constant 0 : i32
    %c0_i32_0 = arith.constant 0 : i32
    %c0_i32_1 = arith.constant 0 : i32
    return %c0_i32, %c0_i32_0 : i32, i32
  }
  func.func @transform_3(%arg0: i32) -> (i32, i32) {
    %c0_i32 = arith.constant 0 : i32
    %c0_i32_0 = arith.constant 0 : i32
    %c0_i32_1 = arith.constant 0 : i32
    return %c0_i32, %c0_i32_0 : i32, i32
  }
  func.func @transform_4(%arg0: i32) -> (i32, i32) {
    %c0_i32 = arith.constant 0 : i32
    %c0_i32_0 = arith.constant 0 : i32
    return %arg0, %c0_i32 : i32, i32
  }
}

</mosaic_0001>

<sc_bundles>
// kernel: kernel.10.cloned.1.call-start
scs
__scs_entry_jumppad:
0x0: {  	(pc) =	sbr.rel $0x88, $3  }
0x1: {  	(tag) =	ssettag $0x0;
	lr =	simm.s32 $0x1  }
0x2: {  	[smem:$0x3F9B] =	sst lr;
	_ =	strace $0xD0000000  }
0x3: {  	_ = 	snop  }
0x4: {  	_ = 	snop  }
0x5: {  	_ = 	snop  }
0x6: {  	_ = 	snop  }
0x7: {  	_ = 	snop  }
__scs_overlays_trampoline_lowered:
0x8: {  	[smem:$0x3FAA] =	sst s0  }
0x9: {  	[smem:$0x3FAB] =	sst s1  }
0xa: {  	[smem:$0x3FAC] =	sst s2  }
0xb: {  	[smem:$0x3FAD] =	sst s3  }
0xc: {  	[smem:$0x3FAE] =	sst s4  }
0xd: {  	[smem:$0x3FAF] =	sst s5  }
0xe: {  	[smem:$0x3FB0] =	sst s6  }
0xf: {  	[smem:$0x3FB1] =	sst s7  }
0x10: {  	[smem:$0x3FB2] =	sst s8  }
0x11: {  	[smem:$0x3FB3] =	sst s9;
	s0 =	simm.s32 @!p0 $0x0  }
0x12: {  	s1 =	sld [smem:$0x3F99];
	s0 =	simm.s32 @p0 $0x1  }
0x13: {  	[smem:$0x3FB4] =	sst s0;
	s0 =	simm.s32 @!p1 $0x0  }
0x14: {  	s2 =	sld [smem:$0x3F98];
	s0 =	simm.s32 @p1 $0x1  }
0x15: {  	[smem:$0x3FB5] =	sst s0;
	s0 =	simm.s32 @!p2 $0x0  }
0x16: {  	s3 =	sld [smem:$0x3FDB];
	s0 =	simm.s32 @p2 $0x1  }
0x17: {  	s4 =	simm.s32 $0x1BF5;
	[smem:$0x3FB7] =	sst s0  }
0x18: {  	s0 =	sld [smem:$0x3F9A];
	_ =	swait.ge [sflag:s4], $0x0  }
0x19: {  	s7 =	sld [smem:$0x3F9B]  }
0x1a: {  	s8 =	sadd.s32 $0xFFFFE003, lr  }
0x1b: {  	s9 =	sadd.s32 $0xFFFFFEF7, lr;
	s5 =	simm.s32 $0xFFFFFFFF;
	p2 =	slt.u32 s8, $0xFFFFF086  }
0x1c: {  	p1 =	slt.u32 s9, $0xF7A;
	s5 =	simm.s32 @!p2 $0x0  }
0x1d: {  	s5 =	simm.s32 @p1 $0x1;
	p0 =	seq.s32 s7, s2  }
0x1e: {  	s7 =	smul.u32 @!p0 $0xF7A, s2;
	p2 =	seq.s32 @!p0 s5, $0x0  }
0x1f: {  	s9 =	smul.u32 $0xF7A, s1;
	s8 =	simm.s32 @!p0 $0x1BF5;
	p2 =	por !p2, p0  }
0x20: {  	[sflag:s8] =	ssyncset.s32 @!p0 $0xFFFFF086;
	s6 =	sadd.s32 @!p0 s3, s7;
	s7 =	simm.s32 @!p0 $0x108  }
0x21: {  	s3 =	sadd.s32 s3, s9;
	s6 =	sadd.s32 @!p0 $0x88, s6;
	s7 =	simm.s32 @p2 $0x1082  }
0x22: {  	[simem:s7], [sflag:s8] =	dma.local @!p0 [hbm:s6], $0xF7A  }
0x23: {  	s9 =	sor.u32 $0xD0000000, s2;
	s6 =	simm.s32 $0x108;
	_ =	swait.ge @!p0 [sflag:s8], $0x0  }
0x24: {  	s3 =	sadd.s32 $0x88, s3;
	s6 =	simm.s32 @!p1 $0x1082;
	[sflag:s4] =	ssyncset.s32 $0xFFFFF086  }
0x25: {  	[simem:s6], [sflag:s4] =	dma.local [hbm:s3], $0xF7A  }
0x26: {  	[smem:$0x3F9B] =	sst s1;
	(tag) =	ssettag s2;
	_ =	strace s9  }
0x27: {  	s1 =	sld [smem:$0x3FAB]  }
0x28: {  	s2 =	sld [smem:$0x3FAC]  }
0x29: {  	s4 =	sld [smem:$0x3FAE]  }
0x2a: {  	p0 =	seq.s32 s5, $0x0;
	s5 =	sld [smem:$0x3FAF]  }
0x2b: {  	s6 =	sld [smem:$0x3FB0]  }
0x2c: {  	s7 =	sld [smem:$0x3FB1]  }
0x2d: {  	s3 =	simm.s32 $0x108;
	s8 =	sld [smem:$0x3FB2]  }
0x2e: {  	s3 =	simm.s32 @!p0 $0x1082;
	s9 =	sld [smem:$0x3FB3]  }
0x2f: {  	lr =	sadd.s32 s0, s3;
	s0 =	sld [smem:$0x3FAA]  }
0x30: {  	s3 =	sld [smem:$0x3FAD]  }
0x31: {  	[smem:$0x3FB6] =	sst s10  }
0x32: {  	s10 =	sld [smem:$0x3FB4];
	_ =	sdelay $0x3  }
0x33: {  	p0 =	seq.s32 s10, $0x1;
	s10 =	sld [smem:$0x3FB6];
	_ =	sdelay $0x3  }
0x34: {  	[smem:$0x3FB6] =	sst s10  }
0x35: {  	s10 =	sld [smem:$0x3FB5];
	_ =	sdelay $0x3  }
0x36: {  	p1 =	seq.s32 s10, $0x1;
	s10 =	sld [smem:$0x3FB6];
	_ =	sdelay $0x3  }
0x37: {  	[smem:$0x3FB6] =	sst s10  }
0x38: {  	s10 =	sld [smem:$0x3FB7]  }
0x39: {  	_ = 	snop;
	(pc) =	sbr.ind lr, $3  }
0x3a: {  	_ = 	snop  }
0x3b: {  	_ = 	snop  }
0x3c: {  	p2 =	seq.s32 s10, $0x1;
	s10 =	sld [smem:$0x3FB6]  }
0x3d: {  	_ =	shalt  }
0x3e: {  	_ =	shalt  }
0x3f: {  	_ =	shalt  }
0x40: {  	_ =	shalt  }
0x41: {  	_ =	shalt  }
0x42: {  	_ =	shalt  }
0x43: {  	_ =	shalt  }
0x44: {  	_ =	shalt  }
0x45: {  	_ =	shalt  }
0x46: {  	_ =	shalt  }
0x47: {  	_ =	shalt  }
0x48: {  	_ =	shalt  }
0x49: {  	_ =	shalt  }
0x4a: {  	_ =	shalt  }
0x4b: {  	_ =	shalt  }
0x4c: {  	_ =	shalt  }
0x4d: {  	_ =	shalt  }
0x4e: {  	_ =	shalt  }
0x4f: {  	_ =	shalt  }
0x50: {  	_ =	shalt  }
0x51: {  	_ =	shalt  }
0x52: {  	_ =	shalt  }
0x53: {  	_ =	shalt  }
0x54: {  	_ =	shalt  }
0x55: {  	_ =	shalt  }
0x56: {  	_ =	shalt  }
0x57: {  	_ =	shalt  }
0x58: {  	_ =	shalt  }
0x59: {  	_ =	shalt  }
0x5a: {  	_ =	shalt  }
0x5b: {  	_ =	shalt  }
0x5c: {  	_ =	shalt  }
0x5d: {  	_ =	shalt  }
0x5e: {  	_ =	shalt  }
0x5f: {  	_ =	shalt  }
0x60: {  	_ =	shalt  }
0x61: {  	_ =	shalt  }
0x62: {  	_ =	shalt  }
0x63: {  	_ =	shalt  }
0x64: {  	_ =	shalt  }
0x65: {  	_ =	shalt  }
0x66: {  	_ =	shalt  }
0x67: {  	_ =	shalt  }
0x68: {  	_ =	shalt  }
0x69: {  	_ =	shalt  }
0x6a: {  	_ =	shalt  }
0x6b: {  	_ =	shalt  }
0x6c: {  	_ =	shalt  }
0x6d: {  	_ =	shalt  }
0x6e: {  	_ =	shalt  }
0x6f: {  	_ =	shalt  }
0x70: {  	_ =	shalt  }
0x71: {  	_ =	shalt  }
0x72: {  	_ =	shalt  }
0x73: {  	_ =	shalt  }
0x74: {  	_ =	shalt  }
0x75: {  	_ =	shalt  }
0x76: {  	_ =	shalt  }
0x77: {  	_ =	shalt  }
0x78: {  	_ =	shalt  }
0x79: {  	_ =	shalt  }
0x7a: {  	_ =	shalt  }
0x7b: {  	_ =	shalt  }
0x7c: {  	_ =	shalt  }
0x7d: {  	_ =	shalt  }
0x7e: {  	_ =	shalt  }
0x7f: {  	_ =	shalt  }
0x80: {  	_ =	shalt  }
0x81: {  	_ =	shalt  }
0x82: {  	_ =	shalt  }
0x83: {  	_ =	shalt  }
0x84: {  	_ =	shalt  }
0x85: {  	_ =	shalt  }
0x86: {  	_ =	shalt  }
0x87: {  	_ =	shalt  }
.Lfunc_end0:
.L_simem_size_0:
called_computation.1_lowered:
.L_overlay_start_0:
0x88: {  	s2 =	sld [smem:$0x3FD9]  }
0x89: {  	s3 =	sld [smem:$0x3FFE];
	_ =	sdelay $0x1  }
0x8a: {  	s1 =	srdreg.scid  }
0x8b: {  	s0 =	sand.u32 $0x1, s1  }
0x8c: {  	s17 =	sshll.u32 s0, $0xA;
	s2 =	sadd.s32 s3, s2  }
0x8d: {  	s2 =	sadd.s32 s2, s17  }
0x8e: {  	[smem:$0x3FC2] =	sst s2  }
0x8f: {  	_ = 	snop  }
0x90: {  	s2 =	sld [smem:$0x3FD0];
	(tm) =	ssettm $0x1  }
0x91: {  	s18 =	sld [smem:$0x3FFB];
	_ =	sdelay $0x3  }
0x92: {  	_ =	strace s18  }
0x93: {  	s3 =	sld [smem:$0x3FFC];
	_ =	sdelay $0x3  }
0x94: {  	_ =	strace s3  }
0x95: {  	s3 =	sld [smem:$0x3FFD];
	_ =	sdelay $0x3  }
0x96: {  	_ =	strace s3  }
0x97: {  	_ =	strace $0x8FFFFFFF  }
0x98: {  	s19 =	sld [smem:$0x3FDB];
	_ =	sdelay $0x1  }
0x99: {  	s4 =	simm.s32 $_scs_section_size  }
0x9a: {  	s5 =	simm.s32 $_size__tile_overlayer_lowered;
	s6 =	simm.s32 $_tile_overlayer_lowered  }
0x9b: {  	s22 =	simm.s32 $0x1BFF;
	s21 =	sshll.u32 s6, $0x1;
	s3 =	sadd.s32 s4, s19  }
0x9c: {  	s7 =	simm.s32 $0x0;
	s20 =	sshll.u32 s5, $0x1;
	s5 =	sadd.s32 s21, s3  }
0x9d: {  	[timem:s7], [sflag:s22] =	dma.local [hbm:s5], s20  }
0x9e: {  	_ =	swait.ge [sflag:s22], s20  }
0x9f: {  	s4 =	ssub.s32 $0x0, s20;
	[sflag:s22] =	ssyncset.done $0x0  }
0xa0: {  	[sflag:s22] =	ssyncadd.s32 s4;
	_ =	sdelay $0x1  }
0xa1: {  	s23 =	simm.s32 $0x1B8B  }
0xa2: {  	_ =	swait.ge [sflag:s23], $0x1  }
0xa3: {  	[sflag:s23] =	ssyncset.done $0x0  }
0xa4: {  	s25 =	simm.s32 $0x1B8E;
	s24 =	sld [smem:$0x3FFE];
	[sflag:s23] =	ssyncadd.s32 $0xFFFFFFFF  }
0xa5: {  	s26 =	simm.s32 $execute0_lowered;
	[smem:$0x3FD2] =	sst s25  }
0xa6: {  	s5 =	sshll.u32 s26, $0x1;
	_ =	strace $0x80000049;
	[dreg:$0x1] =	wrdreg $0xFFFFFFFF  }
0xa7: {  	s28 =	simm.s32 $_size_execute0_lowered;
	s3 =	sadd.s32 s3, s5;
	[dreg:$0x0] =	wrdreg $0x0  }
0xa8: {  	s5 =	sshll.u32 s28, $0x1;
	[dreg:$0x2] =	wrdreg s3  }
0xa9: {  	[dreg:$0x3] =	wrdreg s5  }
0xaa: {  	[dreg:$0x4] =	wrdreg $0xC0  }
0xab: {  	_ =	task [dreg:s7], $0x5FFFF  }
0xac: {  	[dreg:$0x1] =	wrdreg $0xFFFFFFFF  }
0xad: {  	[dreg:$0x0] =	wrdreg $0x60  }
0xae: {  	[dreg:$0x2] =	wrdreg s24  }
0xaf: {  	[dreg:$0x3] =	wrdreg s2  }
0xb0: {  	[dreg:$0x4] =	wrdreg $0x7D000  }
0xb1: {  	[dreg:$0x5] =	wrdreg $0x9  }
0xb2: {  	_ =	task.clear_ibuf [dreg:s7], $0x6FFFF;
	_ =	strace $0x90000049  }
0xb3: {  	s29 =	simm.s32 $0x9;
	_ =	strace $0x8000004B  }
0xb4: {  	_ =	swait.ge [sflag:s29], $0x1  }
0xb5: {  	[sflag:s29] =	ssyncadd.s32 $0xFFFFFFFF  }
0xb6: {  	_ =	strace $0x9000004B  }
0xb7: {  	_ =	sfence  }
0xb8: {  	s30 =	sld [smem:$0x0];
	_ =	sdelay $0x2  }
0xb9: {  	s31 =	sshll.u32 s1, $0xD;
	s1 =	sshrl.u32 s1, $0x2  }
0xba: {  	s3 =	sand.u32 $0x4000, s31;
	s1 =	sadd.s32 s1, s30  }
0xbb: {  	s0 =	sor.u32 s3, s0;
	s1 =	sshll.u32 s1, $0x11  }
0xbc: {  	s0 =	sor.u32 s1, s0  }
0xbd: {  	s0 =	sadd.s32 $0x8F2B, s0  }
0xbe: {  	[sflag:s0] =	ssyncadd.remote.s32 $0x1  }
0xbf: {  	_ =	sfence.sel $0xFFFF  }
0xc0: {  	[dreg:$0x0] =	wrdreg $0xFFFFFFFF;
	(pc) =	sbr.abs _section_cstart, $3  }
0xc1: {  	[dreg:$0x1] =	wrdreg $0xFFFFFFFF  }
0xc2: {  	_ =	task.clear_ibuf [dreg:s7], $0x2FFFF;
	_ =	strace $0x9FFFFFFF  }
0xc3: {  	(tm) =	ssettm $0x7FFFFFFF  }
tec
execute0_lowered:
.L_overlay_start_1:
0x0: {  	(tag) =	ssettag $0x1  }
0x1: {  	s6 =	rddreg [dreg:$0x0]  }
0x2: {  	s9 =	rddreg [dreg:$0x1]  }
0x3: {  	s0 =	srdreg.scid;
	s2 =	rddreg [dreg:$0x2];
	s3 =	simm.s32 $0x0  }
0x4: {  	s16 =	simm.s32 $0x1;
	s5 =	sand.u32 $0x1, s0;
	s0 =	stileid.u32  }
0x5: {  	s17 =	simm.s32 $0x40;
	s18 =	simm.s32 $0x5900;
	s7 =	smul.u32 $0x16020, s0  }
0x6: {  	s19 =	simm.s32 $0x0;
	[smem:$0x7FF] =	sst s3;
	s8 =	smul.u32 $0x2C04, s0  }
0x7: {  	s4 =	sadd.s32 $0xDE00, s6;
	s1 =	sshll.u32 s5, $0x4;
	s11 =	smul.u32 $0x2C040, s5  }
0x8: {  	s29 =	ssub.s32 $0x2, s5;
	p0 =	seq.s32 s5, $0x0;
	s5 =	simm.s32 $0x6A  }
0x9: {  	s31 =	sshll.u32 s0, $0x6;
	s1 =	sor.u32 s0, s1;
	s30 =	sshrl.u32 s29, $0x1  }
0xa: {  	s5 =	simm.s32 @!p0 $0x34;
	s10 =	smul.u32 $0x6A0, s1;
	s1 =	rddreg [dreg:$0x3]  }
0xb: {  	_ =	strace $0x8000004A;
	s13 =	sshrl.u32 s7, $0x3;
	s8 =	sadd.s32 s8, s11  }
0xc: {  	s14 =	ssub.s32 s29, s30;
	s15 =	sadd.s32 s7, s2;
	s7 =	sor.u32 $0x1C02, s31  }
0xd: {  	s26 =	sadd.s32 s13, s6;
	s28 =	sadd.s32 s8, s6;
	s13 =	sshrl.u32 s15, $0x3  }
0xe: {  	s15 =	simm.s32 $0x3500;
	s12 =	sadd.s32 s10, s6;
	s6 =	sadd.s32 $0x3AE00, s26  }
0xf: {  	s9 =	sadd.s32 s9, s10;
	s10 =	sshll.u32 s5, $0x3;
	s11 =	sadd.s32 $0x67000, s28  }
0x10: {  	s8 =	sadd.s32 $0xA00, s12;
	s12 =	smax.u32 s14, $0x1;
	s14 =	simm.s32 $0x2  }
.LBB2_1:
0x11: {  	[spmem:s13], [sflag:s7] =	dma.local [hbm:s6], $0x2C04  }
0x12: {  	_ =	swait.ge [sflag:s14], $0x2C04  }
0x13: {  	[sflag:s14] =	ssyncset.done $0x0  }
0x14: {  	[sflag:s14] =	ssyncadd.s32 $0xFFFFD3FC  }
0x15: {  	[bflag:$0x0] =	sbarrier.arrive $0xFFFF  }
0x16: {  	[tilespmem:s3], [sflag:$0x2] =	stream.linear.gather [hbm4b:s8+s3], $0x1A80, $0x38;
	[tilespmem:$0x1DD20] =	vst v63  }
0x17: {  	_ =	swait.ge [sflag:s14], $0x1A80  }
0x18: {  	[sflag:s14] =	ssyncset.done $0x0  }
0x19: {  	s20 =	simm.s32 $0x1A80;
	[sflag:s14] =	ssyncadd.s32 $0xFFFFE580  }
0x1a: {  	[tilespmem:s20], [sflag:$0x2] =	stream.linear.gather [hbm4b:s9+s3], $0x1A80, $0x38;
	[tilespmem:$0x1DD20] =	vst v63  }
0x1b: {  	_ =	swait.ge [sflag:s14], $0x1A80  }
0x1c: {  	[sflag:s14] =	ssyncset.done $0x0  }
0x1d: {  	[sflag:s14] =	ssyncadd.s32 $0xFFFFE580  }
0x1e: {  	[tilespmem:s15], [sflag:$0x1] =	stream.indirect.gather [hbm4b:s4+s17], $0x90, s3, s17, $0xb8;
	[tilespmem:$0x1DD20] =	vst v63  }
0x1f: {  	_ =	swait.ge [sflag:s16], $0x2400  }
0x20: {  	[sflag:s16] =	ssyncset.done $0x0  }
0x21: {  	[sflag:s16] =	ssyncadd.s32 $0xFFFFDC00  }
0x22: {  	[tilespmem:s18], [sflag:$0x1] =	stream.indirect.gather [hbm4b:s4+s17], $0x90, s17, s17, $0xb8;
	[tilespmem:$0x1DD20] =	vst v63  }
0x23: {  	_ = 	snop  }
0x24: {  	[spmem:s2] =	stream.indirect.scatter.add.f32 [tilespmem:s15], [sflag:$0x2], $0x90, s20, s17, $0xb8;
	[tilespmem:$0x1DD20] =	vst v63  }
0x25: {  	_ =	swait.ge [sflag:s14], $0x2400  }
0x26: {  	[sflag:s14] =	ssyncset.done $0x0  }
0x27: {  	[sflag:s14] =	ssyncadd.s32 $0xFFFFDC00  }
0x28: {  	p0 =	sle.u32 s5, $0x2;
	_ =	swait.ge [sflag:s16], $0x2400  }
0x29: {  	s21 =	simm.s32 @!p0 $0x80;
	[sflag:s16] =	ssyncset.done $0x0  }
0x2a: {  	s22 =	simm.s32 @!p0 $0x40;
	s23 =	simm.s32 @!p0 $0x3500;
	[sflag:s16] =	ssyncadd.s32 $0xFFFFDC00  }
0x2b: {  	[tilespmem:s23], [sflag:$0x1] =	stream.indirect.gather @!p0 [hbm4b:s4+s22], $0x90, s21, s22, $0xb8;
	[tilespmem:$0x1DD20] =	vst v63  }
0x2c: {  	p0 =	sne.s32 s5, $0x2  }
.Ltmp0:
0x2d: {  	_ = 	snop;
	(pc) =	sbr.rel @!p0 .LBB2_3-.Ltmp0, $4  }
0x2e: {  	_ = 	snop  }
0x2f: {  	s24 =	simm.s32 $0x1A80;
	s21 =	simm.s32 $0x1AC0  }
0x30: {  	[spmem:s2] =	stream.indirect.scatter.add.f32 [tilespmem:s18], [sflag:$0x2], $0x90, s21, s17, $0xb8;
	[tilespmem:$0x1DD20] =	vst v63  }
0x31: {  	s22 =	simm.s32 $0x2;
	s23 =	simm.s32 $0xC0;
	_ =	swait.ge [sflag:s14], $0x2400  }
.LBB2_2:
0x32: {  	s22 =	sadd.s32 $0x2, s22;
	[sflag:s14] =	ssyncset.done $0x0;
	s24 =	sadd.s32 $0x80, s24  }
0x33: {  	p0 =	sne.s32 s5, s22;
	[sflag:s14] =	ssyncadd.s32 $0xFFFFDC00  }
0x34: {  	_ =	swait.ge [sflag:s16], $0x2400  }
0x35: {  	[sflag:s16] =	ssyncset.done $0x0  }
0x36: {  	[sflag:s16] =	ssyncadd.s32 $0xFFFFDC00  }
0x37: {  	[tilespmem:s18], [sflag:$0x1] =	stream.indirect.gather [hbm4b:s4+s17], $0x90, s23, s17, $0xb8;
	[tilespmem:$0x1DD20] =	vst v63  }
0x38: {  	_ = 	snop  }
0x39: {  	[spmem:s2] =	stream.indirect.scatter.add.f32 [tilespmem:s15], [sflag:$0x2], $0x90, s24, s17, $0xb8;
	[tilespmem:$0x1DD20] =	vst v63  }
0x3a: {  	_ =	swait.ge [sflag:s14], $0x2400  }
0x3b: {  	[sflag:s14] =	ssyncset.done $0x0  }
0x3c: {  	[sflag:s14] =	ssyncadd.s32 $0xFFFFDC00  }
0x3d: {  	_ =	swait.ge [sflag:s16], $0x2400  }
0x3e: {  	p1 =	sge.u32 s22, s5;
	[sflag:s16] =	ssyncset.done $0x0  }
0x3f: {  	s25 =	sadd.s32 @!p1 $0x40, s23;
	s26 =	simm.s32 @!p1 $0x40;
	[sflag:s16] =	ssyncadd.s32 $0xFFFFDC00  }
.Ltmp1:
0x40: {  	s29 =	sadd.s32 $0x40, s24;
	s28 =	simm.s32 @!p1 $0x3500;
	(pc) =	sbr.rel @p0 .LBB2_2-.Ltmp1, $4  }
0x41: {  	[tilespmem:s28], [sflag:$0x1] =	stream.indirect.gather @!p1 [hbm4b:s4+s26], $0x90, s25, s26, $0xb8;
	[tilespmem:$0x1DD20] =	vst v63  }
0x42: {  	_ = 	snop  }
0x43: {  	[spmem:s2] =	stream.indirect.scatter.add.f32 [tilespmem:s18], [sflag:$0x2], $0x90, s29, s17, $0xb8;
	[tilespmem:$0x1DD20] =	vst v63  }
0x44: {  	s23 =	sadd.s32 $0x80, s23;
	_ =	swait.ge [sflag:s14], $0x2400  }
.LBB2_3:
0x45: {  	[sflag:s14] =	ssyncset.done $0x0  }
0x46: {  	s22 =	sadd.s32 s10, s8;
	s23 =	simm.s32 $0x0;
	[sflag:s14] =	ssyncadd.s32 $0xFFFFDC00  }
0x47: {  	[tilespmem:s23], [sflag:$0x2] =	stream.linear.gather [hbm4b:s22+s23], $0x1A80, $0x38;
	[tilespmem:$0x1DD20] =	vst v63  }
0x48: {  	_ =	swait.ge [sflag:s14], $0x1A80  }
0x49: {  	[sflag:s14] =	ssyncset.done $0x0  }
0x4a: {  	s30 =	sadd.s32 s10, s9;
	[sflag:s14] =	ssyncadd.s32 $0xFFFFE580  }
0x4b: {  	[tilespmem:s20], [sflag:$0x2] =	stream.linear.gather [hbm4b:s30+s23], $0x1A80, $0x38;
	[tilespmem:$0x1DD20] =	vst v63  }
0x4c: {  	_ =	swait.ge [sflag:s14], $0x1A80  }
0x4d: {  	[sflag:s14] =	ssyncset.done $0x0  }
0x4e: {  	s31 =	simm.s32 $0x40;
	[sflag:s14] =	ssyncadd.s32 $0xFFFFE580  }
0x4f: {  	[tilespmem:s15], [sflag:$0x1] =	stream.indirect.gather [hbm4b:s4+s31], $0x90, s23, s31, $0xb8;
	[tilespmem:$0x1DD20] =	vst v63  }
0x50: {  	_ =	swait.ge [sflag:s16], $0x2400  }
0x51: {  	[sflag:s16] =	ssyncset.done $0x0  }
0x52: {  	[sflag:s16] =	ssyncadd.s32 $0xFFFFDC00  }
0x53: {  	[tilespmem:s18], [sflag:$0x1] =	stream.indirect.gather [hbm4b:s4+s17], $0x90, s31, s17, $0xb8;
	[tilespmem:$0x1DD20] =	vst v63  }
0x54: {  	_ = 	snop  }
0x55: {  	[spmem:s2] =	stream.indirect.scatter.add.f32 [tilespmem:s15], [sflag:$0x2], $0x90, s20, s17, $0xb8;
	[tilespmem:$0x1DD20] =	vst v63  }
0x56: {  	_ =	swait.ge [sflag:s14], $0x2400  }
0x57: {  	[sflag:s14] =	ssyncset.done $0x0  }
0x58: {  	[sflag:s14] =	ssyncadd.s32 $0xFFFFDC00  }
0x59: {  	p0 =	sle.u32 s5, $0x2;
	_ =	swait.ge [sflag:s16], $0x2400  }
0x5a: {  	s24 =	simm.s32 @!p0 $0x3500;
	[sflag:s16] =	ssyncset.done $0x0  }
0x5b: {  	s22 =	simm.s32 @!p0 $0x80;
	s23 =	simm.s32 @!p0 $0x40;
	[sflag:s16] =	ssyncadd.s32 $0xFFFFDC00  }
0x5c: {  	[tilespmem:s24], [sflag:$0x1] =	stream.indirect.gather @!p0 [hbm4b:s4+s23], $0x90, s22, s23, $0xb8;
	[tilespmem:$0x1DD20] =	vst v63  }
0x5d: {  	p0 =	sne.s32 s5, $0x2  }
.Ltmp2:
0x5e: {  	_ = 	snop;
	(pc) =	sbr.rel @!p0 .LBB2_5-.Ltmp2, $3  }
0x5f: {  	_ =	sdelay $0x1  }
0x60: {  	[spmem:s2] =	stream.indirect.scatter.add.f32 [tilespmem:s18], [sflag:$0x2], $0x90, s21, s17, $0xb8;
	[tilespmem:$0x1DD20] =	vst v63  }
0x61: {  	s22 =	simm.s32 $0xC0;
	s21 =	simm.s32 $0x2;
	_ =	swait.ge [sflag:s14], $0x2400  }
.LBB2_4:
0x62: {  	s21 =	sadd.s32 $0x2, s21;
	[sflag:s14] =	ssyncset.done $0x0;
	s20 =	sadd.s32 $0x80, s20  }
0x63: {  	p0 =	sne.s32 s5, s21;
	[sflag:s14] =	ssyncadd.s32 $0xFFFFDC00  }
0x64: {  	_ =	swait.ge [sflag:s16], $0x2400  }
0x65: {  	[sflag:s16] =	ssyncset.done $0x0  }
0x66: {  	[sflag:s16] =	ssyncadd.s32 $0xFFFFDC00  }
0x67: {  	[tilespmem:s18], [sflag:$0x1] =	stream.indirect.gather [hbm4b:s4+s17], $0x90, s22, s17, $0xb8;
	[tilespmem:$0x1DD20] =	vst v63  }
0x68: {  	_ = 	snop  }
0x69: {  	[spmem:s2] =	stream.indirect.scatter.add.f32 [tilespmem:s15], [sflag:$0x2], $0x90, s20, s17, $0xb8;
	[tilespmem:$0x1DD20] =	vst v63  }
0x6a: {  	_ =	swait.ge [sflag:s14], $0x2400  }
0x6b: {  	[sflag:s14] =	ssyncset.done $0x0  }
0x6c: {  	[sflag:s14] =	ssyncadd.s32 $0xFFFFDC00  }
0x6d: {  	_ =	swait.ge [sflag:s16], $0x2400  }
0x6e: {  	p1 =	sge.u32 s21, s5;
	[sflag:s16] =	ssyncset.done $0x0  }
0x6f: {  	s23 =	sadd.s32 @!p1 $0x40, s22;
	s24 =	simm.s32 @!p1 $0x40;
	[sflag:s16] =	ssyncadd.s32 $0xFFFFDC00  }
.Ltmp3:
0x70: {  	s26 =	sadd.s32 $0x40, s20;
	s25 =	simm.s32 @!p1 $0x3500;
	(pc) =	sbr.rel @p0 .LBB2_4-.Ltmp3, $4  }
0x71: {  	[tilespmem:s25], [sflag:$0x1] =	stream.indirect.gather @!p1 [hbm4b:s4+s24], $0x90, s23, s24, $0xb8;
	[tilespmem:$0x1DD20] =	vst v63  }
0x72: {  	_ = 	snop  }
0x73: {  	[spmem:s2] =	stream.indirect.scatter.add.f32 [tilespmem:s18], [sflag:$0x2], $0x90, s26, s17, $0xb8;
	[tilespmem:$0x1DD20] =	vst v63  }
0x74: {  	s22 =	sadd.s32 $0x80, s22;
	_ =	swait.ge [sflag:s14], $0x2400  }
.LBB2_5:
0x75: {  	[sflag:s14] =	ssyncset.done $0x0;
	s19 =	sadd.s32 $0x1, s19  }
0x76: {  	[sflag:s14] =	ssyncadd.s32 $0xFFFFDC00;
	p0 =	sne.s32 s19, s12  }
.Ltmp4:
0x77: {  	[bflag:$0x0] =	sbarrier.arrive $0xFFFF;
	(pc) =	sbr.rel @p0 .LBB2_1-.Ltmp4, $4  }
0x78: {  	[hbm:s11], [sflag:s7] =	dma.local [spmem:s13], $0x2C04  }
0x79: {  	_ =	swait.ge [sflag:s14], $0x2C04  }
0x7a: {  	[sflag:s14] =	ssyncset.done $0x0  }
0x7b: {  	[sflag:s14] =	ssyncadd.s32 $0xFFFFD3FC  }
0x7c: {  	_ =	sfence.sel $0x180000  }
0x7d: {  	[bflag:$0x0] =	sbarrier.arrive $0xFFFF  }
0x7e: {  	p0 =	sne.s32 s0, $0x0;
	_ =	strace $0x9000004A  }
0x7f: {  	s0 =	sadd.s32 @!p0 $0x100000, s1;
	[bflag:$0x2] =	sbarrier.arrive $0xFFFF  }
0x80: {  	[sflag:s0] =	ssyncadd.tile.s32 @!p0 $0x1;
	_ =	shalt  }
.Lfunc_end2:
_tile_overlayer_lowered:
.L_overlay_start_2:
0x81: {  	(tag) =	ssettag $0x2  }
0x82: {  	s0 =	rddreg [dreg:$0x0];
	s2 =	stileid.u32  }
0x83: {  	s1 =	rddreg [dreg:$0x1];
	p0 =	sne.s32 s2, $0x0  }
0x84: {  	s3 =	rddreg [dreg:$0x2];
	[bflag:$0x3] =	sbarrier.arrive $0xFFFF;
	s2 =	simm.s32 @!p0 $0x1C02  }
0x85: {  	[timem:s3], [sflag:s2] =	dma.local @!p0 [hbm:s0], s1  }
0x86: {  	s0 =	simm.s32 @!p0 $0x2  }
0x87: {  	_ =	swait.ge @!p0 [sflag:s0], s1  }
0x88: {  	s1 =	ssub.s32 @!p0 $0x0, s1;
	[sflag:s0] =	ssyncset.done @!p0 $0x0  }
0x89: {  	[sflag:s0] =	ssyncadd.s32 @!p0 s1  }
0x8a: {  	[bflag:$0x3] =	sbarrier.arrive $0xFFFF  }
0x8b: {  	_ =	shalt  }

// kernel: kernel.7.cloned.1.call-start
scs
__scs_entry_jumppad:
0x0: {  	(pc) =	sbr.rel $0x88, $3  }
0x1: {  	(tag) =	ssettag $0x0;
	lr =	simm.s32 $0x1  }
0x2: {  	[smem:$0x3F9B] =	sst lr;
	_ =	strace $0xD0000000  }
0x3: {  	_ = 	snop  }
0x4: {  	_ = 	snop  }
0x5: {  	_ = 	snop  }
0x6: {  	_ = 	snop  }
0x7: {  	_ = 	snop  }
__scs_overlays_trampoline_lowered:
0x8: {  	[smem:$0x3FAA] =	sst s0  }
0x9: {  	[smem:$0x3FAB] =	sst s1  }
0xa: {  	[smem:$0x3FAC] =	sst s2  }
0xb: {  	[smem:$0x3FAD] =	sst s3  }
0xc: {  	[smem:$0x3FAE] =	sst s4  }
0xd: {  	[smem:$0x3FAF] =	sst s5  }
0xe: {  	[smem:$0x3FB0] =	sst s6  }
0xf: {  	[smem:$0x3FB1] =	sst s7  }
0x10: {  	[smem:$0x3FB2] =	sst s8  }
0x11: {  	[smem:$0x3FB3] =	sst s9;
	s0 =	simm.s32 @!p0 $0x0  }
0x12: {  	s1 =	sld [smem:$0x3F99];
	s0 =	simm.s32 @p0 $0x1  }
0x13: {  	[smem:$0x3FB4] =	sst s0;
	s0 =	simm.s32 @!p1 $0x0  }
0x14: {  	s2 =	sld [smem:$0x3F98];
	s0 =	simm.s32 @p1 $0x1  }
0x15: {  	[smem:$0x3FB5] =	sst s0;
	s0 =	simm.s32 @!p2 $0x0  }
0x16: {  	s3 =	sld [smem:$0x3FDB];
	s0 =	simm.s32 @p2 $0x1  }
0x17: {  	s4 =	simm.s32 $0x1BF5;
	[smem:$0x3FB7] =	sst s0  }
0x18: {  	s0 =	sld [smem:$0x3F9A];
	_ =	swait.ge [sflag:s4], $0x0  }
0x19: {  	s7 =	sld [smem:$0x3F9B]  }
0x1a: {  	s8 =	sadd.s32 $0xFFFFE003, lr  }
0x1b: {  	s9 =	sadd.s32 $0xFFFFFEF7, lr;
	s5 =	simm.s32 $0xFFFFFFFF;
	p2 =	slt.u32 s8, $0xFFFFF086  }
0x1c: {  	p1 =	slt.u32 s9, $0xF7A;
	s5 =	simm.s32 @!p2 $0x0  }
0x1d: {  	s5 =	simm.s32 @p1 $0x1;
	p0 =	seq.s32 s7, s2  }
0x1e: {  	s7 =	smul.u32 @!p0 $0xF7A, s2;
	p2 =	seq.s32 @!p0 s5, $0x0  }
0x1f: {  	s9 =	smul.u32 $0xF7A, s1;
	s8 =	simm.s32 @!p0 $0x1BF5;
	p2 =	por !p2, p0  }
0x20: {  	[sflag:s8] =	ssyncset.s32 @!p0 $0xFFFFF086;
	s6 =	sadd.s32 @!p0 s3, s7;
	s7 =	simm.s32 @!p0 $0x108  }
0x21: {  	s3 =	sadd.s32 s3, s9;
	s6 =	sadd.s32 @!p0 $0x88, s6;
	s7 =	simm.s32 @p2 $0x1082  }
0x22: {  	[simem:s7], [sflag:s8] =	dma.local @!p0 [hbm:s6], $0xF7A  }
0x23: {  	s9 =	sor.u32 $0xD0000000, s2;
	s6 =	simm.s32 $0x108;
	_ =	swait.ge @!p0 [sflag:s8], $0x0  }
0x24: {  	s3 =	sadd.s32 $0x88, s3;
	s6 =	simm.s32 @!p1 $0x1082;
	[sflag:s4] =	ssyncset.s32 $0xFFFFF086  }
0x25: {  	[simem:s6], [sflag:s4] =	dma.local [hbm:s3], $0xF7A  }
0x26: {  	[smem:$0x3F9B] =	sst s1;
	(tag) =	ssettag s2;
	_ =	strace s9  }
0x27: {  	s1 =	sld [smem:$0x3FAB]  }
0x28: {  	s2 =	sld [smem:$0x3FAC]  }
0x29: {  	s4 =	sld [smem:$0x3FAE]  }
0x2a: {  	p0 =	seq.s32 s5, $0x0;
	s5 =	sld [smem:$0x3FAF]  }
0x2b: {  	s6 =	sld [smem:$0x3FB0]  }
0x2c: {  	s7 =	sld [smem:$0x3FB1]  }
0x2d: {  	s3 =	simm.s32 $0x108;
	s8 =	sld [smem:$0x3FB2]  }
0x2e: {  	s3 =	simm.s32 @!p0 $0x1082;
	s9 =	sld [smem:$0x3FB3]  }
0x2f: {  	lr =	sadd.s32 s0, s3;
	s0 =	sld [smem:$0x3FAA]  }
0x30: {  	s3 =	sld [smem:$0x3FAD]  }
0x31: {  	[smem:$0x3FB6] =	sst s10  }
0x32: {  	s10 =	sld [smem:$0x3FB4];
	_ =	sdelay $0x3  }
0x33: {  	p0 =	seq.s32 s10, $0x1;
	s10 =	sld [smem:$0x3FB6];
	_ =	sdelay $0x3  }
0x34: {  	[smem:$0x3FB6] =	sst s10  }
0x35: {  	s10 =	sld [smem:$0x3FB5];
	_ =	sdelay $0x3  }
0x36: {  	p1 =	seq.s32 s10, $0x1;
	s10 =	sld [smem:$0x3FB6];
	_ =	sdelay $0x3  }
0x37: {  	[smem:$0x3FB6] =	sst s10  }
0x38: {  	s10 =	sld [smem:$0x3FB7]  }
0x39: {  	_ = 	snop;
	(pc) =	sbr.ind lr, $3  }
0x3a: {  	_ = 	snop  }
0x3b: {  	_ = 	snop  }
0x3c: {  	p2 =	seq.s32 s10, $0x1;
	s10 =	sld [smem:$0x3FB6]  }
0x3d: {  	_ =	shalt  }
0x3e: {  	_ =	shalt  }
0x3f: {  	_ =	shalt  }
0x40: {  	_ =	shalt  }
0x41: {  	_ =	shalt  }
0x42: {  	_ =	shalt  }
0x43: {  	_ =	shalt  }
0x44: {  	_ =	shalt  }
0x45: {  	_ =	shalt  }
0x46: {  	_ =	shalt  }
0x47: {  	_ =	shalt  }
0x48: {  	_ =	shalt  }
0x49: {  	_ =	shalt  }
0x4a: {  	_ =	shalt  }
0x4b: {  	_ =	shalt  }
0x4c: {  	_ =	shalt  }
0x4d: {  	_ =	shalt  }
0x4e: {  	_ =	shalt  }
0x4f: {  	_ =	shalt  }
0x50: {  	_ =	shalt  }
0x51: {  	_ =	shalt  }
0x52: {  	_ =	shalt  }
0x53: {  	_ =	shalt  }
0x54: {  	_ =	shalt  }
0x55: {  	_ =	shalt  }
0x56: {  	_ =	shalt  }
0x57: {  	_ =	shalt  }
0x58: {  	_ =	shalt  }
0x59: {  	_ =	shalt  }
0x5a: {  	_ =	shalt  }
0x5b: {  	_ =	shalt  }
0x5c: {  	_ =	shalt  }
0x5d: {  	_ =	shalt  }
0x5e: {  	_ =	shalt  }
0x5f: {  	_ =	shalt  }
0x60: {  	_ =	shalt  }
0x61: {  	_ =	shalt  }
0x62: {  	_ =	shalt  }
0x63: {  	_ =	shalt  }
0x64: {  	_ =	shalt  }
0x65: {  	_ =	shalt  }
0x66: {  	_ =	shalt  }
0x67: {  	_ =	shalt  }
0x68: {  	_ =	shalt  }
0x69: {  	_ =	shalt  }
0x6a: {  	_ =	shalt  }
0x6b: {  	_ =	shalt  }
0x6c: {  	_ =	shalt  }
0x6d: {  	_ =	shalt  }
0x6e: {  	_ =	shalt  }
0x6f: {  	_ =	shalt  }
0x70: {  	_ =	shalt  }
0x71: {  	_ =	shalt  }
0x72: {  	_ =	shalt  }
0x73: {  	_ =	shalt  }
0x74: {  	_ =	shalt  }
0x75: {  	_ =	shalt  }
0x76: {  	_ =	shalt  }
0x77: {  	_ =	shalt  }
0x78: {  	_ =	shalt  }
0x79: {  	_ =	shalt  }
0x7a: {  	_ =	shalt  }
0x7b: {  	_ =	shalt  }
0x7c: {  	_ =	shalt  }
0x7d: {  	_ =	shalt  }
0x7e: {  	_ =	shalt  }
0x7f: {  	_ =	shalt  }
0x80: {  	_ =	shalt  }
0x81: {  	_ =	shalt  }
0x82: {  	_ =	shalt  }
0x83: {  	_ =	shalt  }
0x84: {  	_ =	shalt  }
0x85: {  	_ =	shalt  }
0x86: {  	_ =	shalt  }
0x87: {  	_ =	shalt  }
.Lfunc_end0:
.L_simem_size_0:
called_computation_lowered:
.L_overlay_start_0:
0x88: {  	s2 =	sld [smem:$0x3FD9]  }
0x89: {  	s3 =	sld [smem:$0x3FFE];
	_ =	sdelay $0x1  }
0x8a: {  	s1 =	srdreg.scid  }
0x8b: {  	s0 =	sand.u32 $0x1, s1  }
0x8c: {  	s17 =	sshll.u32 s0, $0xA;
	s2 =	sadd.s32 s3, s2  }
0x8d: {  	s2 =	sadd.s32 s2, s17  }
0x8e: {  	[smem:$0x3FC2] =	sst s2  }
0x8f: {  	_ = 	snop  }
0x90: {  	s2 =	sld [smem:$0x3FD0];
	(tm) =	ssettm $0x1  }
0x91: {  	s18 =	sld [smem:$0x3FFB];
	_ =	sdelay $0x3  }
0x92: {  	_ =	strace s18  }
0x93: {  	s3 =	sld [smem:$0x3FFC];
	_ =	sdelay $0x3  }
0x94: {  	_ =	strace s3  }
0x95: {  	s3 =	sld [smem:$0x3FFD];
	_ =	sdelay $0x3  }
0x96: {  	_ =	strace s3  }
0x97: {  	_ =	strace $0x8FFFFFFF  }
0x98: {  	s19 =	sld [smem:$0x3FDB];
	_ =	sdelay $0x1  }
0x99: {  	s4 =	simm.s32 $_scs_section_size  }
0x9a: {  	s5 =	simm.s32 $_size__tile_overlayer_lowered;
	s6 =	simm.s32 $_tile_overlayer_lowered  }
0x9b: {  	s22 =	simm.s32 $0x1BFF;
	s21 =	sshll.u32 s6, $0x1;
	s3 =	sadd.s32 s4, s19  }
0x9c: {  	s7 =	simm.s32 $0x0;
	s20 =	sshll.u32 s5, $0x1;
	s5 =	sadd.s32 s21, s3  }
0x9d: {  	[timem:s7], [sflag:s22] =	dma.local [hbm:s5], s20  }
0x9e: {  	_ =	swait.ge [sflag:s22], s20  }
0x9f: {  	s4 =	ssub.s32 $0x0, s20;
	[sflag:s22] =	ssyncset.done $0x0  }
0xa0: {  	[sflag:s22] =	ssyncadd.s32 s4;
	_ =	sdelay $0x1  }
0xa1: {  	s23 =	simm.s32 $0x1B8B  }
0xa2: {  	_ =	swait.ge [sflag:s23], $0x1  }
0xa3: {  	[sflag:s23] =	ssyncset.done $0x0  }
0xa4: {  	s25 =	simm.s32 $0x1B8E;
	s24 =	sld [smem:$0x3FFE];
	[sflag:s23] =	ssyncadd.s32 $0xFFFFFFFF  }
0xa5: {  	s26 =	simm.s32 $execute0_lowered;
	[smem:$0x3FD2] =	sst s25  }
0xa6: {  	s5 =	sshll.u32 s26, $0x1;
	_ =	strace $0x80000046;
	[dreg:$0x1] =	wrdreg $0xFFFFFFFF  }
0xa7: {  	s28 =	simm.s32 $_size_execute0_lowered;
	s3 =	sadd.s32 s3, s5;
	[dreg:$0x0] =	wrdreg $0x0  }
0xa8: {  	s5 =	sshll.u32 s28, $0x1;
	[dreg:$0x2] =	wrdreg s3  }
0xa9: {  	[dreg:$0x3] =	wrdreg s5  }
0xaa: {  	[dreg:$0x4] =	wrdreg $0xC0  }
0xab: {  	_ =	task [dreg:s7], $0x5FFFF  }
0xac: {  	[dreg:$0x1] =	wrdreg $0xFFFFFFFF  }
0xad: {  	[dreg:$0x0] =	wrdreg $0x60  }
0xae: {  	[dreg:$0x2] =	wrdreg s24  }
0xaf: {  	[dreg:$0x3] =	wrdreg s2  }
0xb0: {  	[dreg:$0x4] =	wrdreg $0x7D000  }
0xb1: {  	[dreg:$0x5] =	wrdreg $0x9  }
0xb2: {  	_ =	task.clear_ibuf [dreg:s7], $0x6FFFF;
	_ =	strace $0x90000046  }
0xb3: {  	s29 =	simm.s32 $0x9;
	_ =	strace $0x80000048  }
0xb4: {  	_ =	swait.ge [sflag:s29], $0x1  }
0xb5: {  	[sflag:s29] =	ssyncadd.s32 $0xFFFFFFFF  }
0xb6: {  	_ =	strace $0x90000048  }
0xb7: {  	_ =	sfence  }
0xb8: {  	s30 =	sld [smem:$0x0];
	_ =	sdelay $0x2  }
0xb9: {  	s31 =	sshll.u32 s1, $0xD;
	s1 =	sshrl.u32 s1, $0x2  }
0xba: {  	s3 =	sand.u32 $0x4000, s31;
	s1 =	sadd.s32 s1, s30  }
0xbb: {  	s0 =	sor.u32 s3, s0;
	s1 =	sshll.u32 s1, $0x11  }
0xbc: {  	s0 =	sor.u32 s1, s0  }
0xbd: {  	s0 =	sadd.s32 $0x8F2B, s0  }
0xbe: {  	[sflag:s0] =	ssyncadd.remote.s32 $0x1  }
0xbf: {  	_ =	sfence.sel $0xFFFF  }
0xc0: {  	[dreg:$0x0] =	wrdreg $0xFFFFFFFF;
	(pc) =	sbr.abs _section_cstart, $3  }
0xc1: {  	[dreg:$0x1] =	wrdreg $0xFFFFFFFF  }
0xc2: {  	_ =	task.clear_ibuf [dreg:s7], $0x2FFFF;
	_ =	strace $0x9FFFFFFF  }
0xc3: {  	(tm) =	ssettm $0x7FFFFFFF  }
tec
execute0_lowered:
.L_overlay_start_1:
0x0: {  	(tag) =	ssettag $0x1  }
0x1: {  	s6 =	rddreg [dreg:$0x0]  }
0x2: {  	s8 =	rddreg [dreg:$0x1]  }
0x3: {  	s0 =	srdreg.scid;
	s2 =	rddreg [dreg:$0x2];
	s3 =	simm.s32 $0x0  }
0x4: {  	s16 =	simm.s32 $0x1;
	s5 =	sand.u32 $0x1, s0;
	s0 =	stileid.u32  }
0x5: {  	s17 =	simm.s32 $0x40;
	s18 =	simm.s32 $0x5900;
	s7 =	smul.u32 $0x16020, s0  }
0x6: {  	s19 =	simm.s32 $0x0;
	[smem:$0x7FF] =	sst s3;
	s10 =	smul.u32 $0x2C04, s0  }
0x7: {  	s4 =	sadd.s32 $0xDE00, s6;
	s1 =	sshll.u32 s5, $0x4;
	s11 =	smul.u32 $0x2C040, s5  }
0x8: {  	s29 =	ssub.s32 $0x2, s5;
	p0 =	seq.s32 s5, $0x0;
	s5 =	simm.s32 $0x6A  }
0x9: {  	s31 =	sshll.u32 s0, $0x6;
	s1 =	sor.u32 s0, s1;
	s30 =	sshrl.u32 s29, $0x1  }
0xa: {  	s5 =	simm.s32 @!p0 $0x34;
	s9 =	smul.u32 $0x6A0, s1;
	s1 =	rddreg [dreg:$0x3]  }
0xb: {  	_ =	strace $0x80000047;
	s13 =	sshrl.u32 s7, $0x3;
	s10 =	sadd.s32 s10, s11  }
0xc: {  	s14 =	ssub.s32 s29, s30;
	s15 =	sadd.s32 s7, s2;
	s7 =	sor.u32 $0x1C02, s31  }
0xd: {  	s26 =	sadd.s32 s13, s6;
	s28 =	sadd.s32 s10, s6;
	s10 =	sshll.u32 s5, $0x3  }
0xe: {  	s13 =	sshrl.u32 s15, $0x3;
	s15 =	simm.s32 $0x3500;
	s12 =	sadd.s32 s9, s6  }
0xf: {  	s6 =	sadd.s32 $0x3AE00, s26;
	s8 =	sadd.s32 s8, s9;
	s11 =	sadd.s32 $0x67000, s28  }
0x10: {  	s9 =	sadd.s32 $0xA00, s12;
	s12 =	smax.u32 s14, $0x1;
	s14 =	simm.s32 $0x2  }
.LBB2_1:
0x11: {  	[spmem:s13], [sflag:s7] =	dma.local [hbm:s6], $0x2C04  }
0x12: {  	_ =	swait.ge [sflag:s14], $0x2C04  }
0x13: {  	[sflag:s14] =	ssyncset.done $0x0  }
0x14: {  	[sflag:s14] =	ssyncadd.s32 $0xFFFFD3FC  }
0x15: {  	[bflag:$0x0] =	sbarrier.arrive $0xFFFF  }
0x16: {  	[tilespmem:s3], [sflag:$0x2] =	stream.linear.gather [hbm4b:s8+s3], $0x1A80, $0x38;
	[tilespmem:$0x1DD20] =	vst v63  }
0x17: {  	_ =	swait.ge [sflag:s14], $0x1A80  }
0x18: {  	[sflag:s14] =	ssyncset.done $0x0  }
0x19: {  	s20 =	simm.s32 $0x1A80;
	[sflag:s14] =	ssyncadd.s32 $0xFFFFE580  }
0x1a: {  	[tilespmem:s20], [sflag:$0x2] =	stream.linear.gather [hbm4b:s9+s3], $0x1A80, $0x38;
	[tilespmem:$0x1DD20] =	vst v63  }
0x1b: {  	_ =	swait.ge [sflag:s14], $0x1A80  }
0x1c: {  	[sflag:s14] =	ssyncset.done $0x0  }
0x1d: {  	[sflag:s14] =	ssyncadd.s32 $0xFFFFE580  }
0x1e: {  	[tilespmem:s15], [sflag:$0x1] =	stream.indirect.gather [hbm4b:s4+s17], $0x90, s3, s17, $0xb8;
	[tilespmem:$0x1DD20] =	vst v63  }
0x1f: {  	_ =	swait.ge [sflag:s16], $0x2400  }
0x20: {  	[sflag:s16] =	ssyncset.done $0x0  }
0x21: {  	[sflag:s16] =	ssyncadd.s32 $0xFFFFDC00  }
0x22: {  	[tilespmem:s18], [sflag:$0x1] =	stream.indirect.gather [hbm4b:s4+s17], $0x90, s17, s17, $0xb8;
	[tilespmem:$0x1DD20] =	vst v63  }
0x23: {  	_ = 	snop  }
0x24: {  	[spmem:s2] =	stream.indirect.scatter.add.f32 [tilespmem:s15], [sflag:$0x2], $0x90, s20, s17, $0xb8;
	[tilespmem:$0x1DD20] =	vst v63  }
0x25: {  	_ =	swait.ge [sflag:s14], $0x2400  }
0x26: {  	[sflag:s14] =	ssyncset.done $0x0  }
0x27: {  	[sflag:s14] =	ssyncadd.s32 $0xFFFFDC00  }
0x28: {  	p0 =	sle.u32 s5, $0x2;
	_ =	swait.ge [sflag:s16], $0x2400  }
0x29: {  	s21 =	simm.s32 @!p0 $0x80;
	[sflag:s16] =	ssyncset.done $0x0  }
0x2a: {  	s22 =	simm.s32 @!p0 $0x40;
	s23 =	simm.s32 @!p0 $0x3500;
	[sflag:s16] =	ssyncadd.s32 $0xFFFFDC00  }
0x2b: {  	[tilespmem:s23], [sflag:$0x1] =	stream.indirect.gather @!p0 [hbm4b:s4+s22], $0x90, s21, s22, $0xb8;
	[tilespmem:$0x1DD20] =	vst v63  }
0x2c: {  	p0 =	sne.s32 s5, $0x2  }
.Ltmp0:
0x2d: {  	_ = 	snop;
	(pc) =	sbr.rel @!p0 .LBB2_3-.Ltmp0, $4  }
0x2e: {  	_ = 	snop  }
0x2f: {  	s24 =	simm.s32 $0x1A80;
	s21 =	simm.s32 $0x1AC0  }
0x30: {  	[spmem:s2] =	stream.indirect.scatter.add.f32 [tilespmem:s18], [sflag:$0x2], $0x90, s21, s17, $0xb8;
	[tilespmem:$0x1DD20] =	vst v63  }
0x31: {  	s22 =	simm.s32 $0x2;
	s23 =	simm.s32 $0xC0;
	_ =	swait.ge [sflag:s14], $0x2400  }
.LBB2_2:
0x32: {  	s22 =	sadd.s32 $0x2, s22;
	[sflag:s14] =	ssyncset.done $0x0;
	s24 =	sadd.s32 $0x80, s24  }
0x33: {  	p0 =	sne.s32 s5, s22;
	[sflag:s14] =	ssyncadd.s32 $0xFFFFDC00  }
0x34: {  	_ =	swait.ge [sflag:s16], $0x2400  }
0x35: {  	[sflag:s16] =	ssyncset.done $0x0  }
0x36: {  	[sflag:s16] =	ssyncadd.s32 $0xFFFFDC00  }
0x37: {  	[tilespmem:s18], [sflag:$0x1] =	stream.indirect.gather [hbm4b:s4+s17], $0x90, s23, s17, $0xb8;
	[tilespmem:$0x1DD20] =	vst v63  }
0x38: {  	_ = 	snop  }
0x39: {  	[spmem:s2] =	stream.indirect.scatter.add.f32 [tilespmem:s15], [sflag:$0x2], $0x90, s24, s17, $0xb8;
	[tilespmem:$0x1DD20] =	vst v63  }
0x3a: {  	_ =	swait.ge [sflag:s14], $0x2400  }
0x3b: {  	[sflag:s14] =	ssyncset.done $0x0  }
0x3c: {  	[sflag:s14] =	ssyncadd.s32 $0xFFFFDC00  }
0x3d: {  	_ =	swait.ge [sflag:s16], $0x2400  }
0x3e: {  	p1 =	sge.u32 s22, s5;
	[sflag:s16] =	ssyncset.done $0x0  }
0x3f: {  	s25 =	sadd.s32 @!p1 $0x40, s23;
	s26 =	simm.s32 @!p1 $0x40;
	[sflag:s16] =	ssyncadd.s32 $0xFFFFDC00  }
.Ltmp1:
0x40: {  	s29 =	sadd.s32 $0x40, s24;
	s28 =	simm.s32 @!p1 $0x3500;
	(pc) =	sbr.rel @p0 .LBB2_2-.Ltmp1, $4  }
0x41: {  	[tilespmem:s28], [sflag:$0x1] =	stream.indirect.gather @!p1 [hbm4b:s4+s26], $0x90, s25, s26, $0xb8;
	[tilespmem:$0x1DD20] =	vst v63  }
0x42: {  	_ = 	snop  }
0x43: {  	[spmem:s2] =	stream.indirect.scatter.add.f32 [tilespmem:s18], [sflag:$0x2], $0x90, s29, s17, $0xb8;
	[tilespmem:$0x1DD20] =	vst v63  }
0x44: {  	s23 =	sadd.s32 $0x80, s23;
	_ =	swait.ge [sflag:s14], $0x2400  }
.LBB2_3:
0x45: {  	[sflag:s14] =	ssyncset.done $0x0  }
0x46: {  	s22 =	sadd.s32 s10, s8;
	s23 =	simm.s32 $0x0;
	[sflag:s14] =	ssyncadd.s32 $0xFFFFDC00  }
0x47: {  	[tilespmem:s23], [sflag:$0x2] =	stream.linear.gather [hbm4b:s22+s23], $0x1A80, $0x38;
	[tilespmem:$0x1DD20] =	vst v63  }
0x48: {  	_ =	swait.ge [sflag:s14], $0x1A80  }
0x49: {  	[sflag:s14] =	ssyncset.done $0x0  }
0x4a: {  	s30 =	sadd.s32 s10, s9;
	[sflag:s14] =	ssyncadd.s32 $0xFFFFE580  }
0x4b: {  	[tilespmem:s20], [sflag:$0x2] =	stream.linear.gather [hbm4b:s30+s23], $0x1A80, $0x38;
	[tilespmem:$0x1DD20] =	vst v63  }
0x4c: {  	_ =	swait.ge [sflag:s14], $0x1A80  }
0x4d: {  	[sflag:s14] =	ssyncset.done $0x0  }
0x4e: {  	s31 =	simm.s32 $0x40;
	[sflag:s14] =	ssyncadd.s32 $0xFFFFE580  }
0x4f: {  	[tilespmem:s15], [sflag:$0x1] =	stream.indirect.gather [hbm4b:s4+s31], $0x90, s23, s31, $0xb8;
	[tilespmem:$0x1DD20] =	vst v63  }
0x50: {  	_ =	swait.ge [sflag:s16], $0x2400  }
0x51: {  	[sflag:s16] =	ssyncset.done $0x0  }
0x52: {  	[sflag:s16] =	ssyncadd.s32 $0xFFFFDC00  }
0x53: {  	[tilespmem:s18], [sflag:$0x1] =	stream.indirect.gather [hbm4b:s4+s17], $0x90, s31, s17, $0xb8;
	[tilespmem:$0x1DD20] =	vst v63  }
0x54: {  	_ = 	snop  }
0x55: {  	[spmem:s2] =	stream.indirect.scatter.add.f32 [tilespmem:s15], [sflag:$0x2], $0x90, s20, s17, $0xb8;
	[tilespmem:$0x1DD20] =	vst v63  }
0x56: {  	_ =	swait.ge [sflag:s14], $0x2400  }
0x57: {  	[sflag:s14] =	ssyncset.done $0x0  }
0x58: {  	[sflag:s14] =	ssyncadd.s32 $0xFFFFDC00  }
0x59: {  	p0 =	sle.u32 s5, $0x2;
	_ =	swait.ge [sflag:s16], $0x2400  }
0x5a: {  	s24 =	simm.s32 @!p0 $0x3500;
	[sflag:s16] =	ssyncset.done $0x0  }
0x5b: {  	s22 =	simm.s32 @!p0 $0x80;
	s23 =	simm.s32 @!p0 $0x40;
	[sflag:s16] =	ssyncadd.s32 $0xFFFFDC00  }
0x5c: {  	[tilespmem:s24], [sflag:$0x1] =	stream.indirect.gather @!p0 [hbm4b:s4+s23], $0x90, s22, s23, $0xb8;
	[tilespmem:$0x1DD20] =	vst v63  }
0x5d: {  	p0 =	sne.s32 s5, $0x2  }
.Ltmp2:
0x5e: {  	_ = 	snop;
	(pc) =	sbr.rel @!p0 .LBB2_5-.Ltmp2, $3  }
0x5f: {  	_ =	sdelay $0x1  }
0x60: {  	[spmem:s2] =	stream.indirect.scatter.add.f32 [tilespmem:s18], [sflag:$0x2], $0x90, s21, s17, $0xb8;
	[tilespmem:$0x1DD20] =	vst v63  }
0x61: {  	s22 =	simm.s32 $0xC0;
	s21 =	simm.s32 $0x2;
	_ =	swait.ge [sflag:s14], $0x2400  }
.LBB2_4:
0x62: {  	s21 =	sadd.s32 $0x2, s21;
	[sflag:s14] =	ssyncset.done $0x0;
	s20 =	sadd.s32 $0x80, s20  }
0x63: {  	p0 =	sne.s32 s5, s21;
	[sflag:s14] =	ssyncadd.s32 $0xFFFFDC00  }
0x64: {  	_ =	swait.ge [sflag:s16], $0x2400  }
0x65: {  	[sflag:s16] =	ssyncset.done $0x0  }
0x66: {  	[sflag:s16] =	ssyncadd.s32 $0xFFFFDC00  }
0x67: {  	[tilespmem:s18], [sflag:$0x1] =	stream.indirect.gather [hbm4b:s4+s17], $0x90, s22, s17, $0xb8;
	[tilespmem:$0x1DD20] =	vst v63  }
0x68: {  	_ = 	snop  }
0x69: {  	[spmem:s2] =	stream.indirect.scatter.add.f32 [tilespmem:s15], [sflag:$0x2], $0x90, s20, s17, $0xb8;
	[tilespmem:$0x1DD20] =	vst v63  }
0x6a: {  	_ =	swait.ge [sflag:s14], $0x2400  }
0x6b: {  	[sflag:s14] =	ssyncset.done $0x0  }
0x6c: {  	[sflag:s14] =	ssyncadd.s32 $0xFFFFDC00  }
0x6d: {  	_ =	swait.ge [sflag:s16], $0x2400  }
0x6e: {  	p1 =	sge.u32 s21, s5;
	[sflag:s16] =	ssyncset.done $0x0  }
0x6f: {  	s23 =	sadd.s32 @!p1 $0x40, s22;
	s24 =	simm.s32 @!p1 $0x40;
	[sflag:s16] =	ssyncadd.s32 $0xFFFFDC00  }
.Ltmp3:
0x70: {  	s26 =	sadd.s32 $0x40, s20;
	s25 =	simm.s32 @!p1 $0x3500;
	(pc) =	sbr.rel @p0 .LBB2_4-.Ltmp3, $4  }
0x71: {  	[tilespmem:s25], [sflag:$0x1] =	stream.indirect.gather @!p1 [hbm4b:s4+s24], $0x90, s23, s24, $0xb8;
	[tilespmem:$0x1DD20] =	vst v63  }
0x72: {  	_ = 	snop  }
0x73: {  	[spmem:s2] =	stream.indirect.scatter.add.f32 [tilespmem:s18], [sflag:$0x2], $0x90, s26, s17, $0xb8;
	[tilespmem:$0x1DD20] =	vst v63  }
0x74: {  	s22 =	sadd.s32 $0x80, s22;
	_ =	swait.ge [sflag:s14], $0x2400  }
.LBB2_5:
0x75: {  	[sflag:s14] =	ssyncset.done $0x0;
	s19 =	sadd.s32 $0x1, s19  }
0x76: {  	[sflag:s14] =	ssyncadd.s32 $0xFFFFDC00;
	p0 =	sne.s32 s19, s12  }
.Ltmp4:
0x77: {  	[bflag:$0x0] =	sbarrier.arrive $0xFFFF;
	(pc) =	sbr.rel @p0 .LBB2_1-.Ltmp4, $4  }
0x78: {  	[hbm:s11], [sflag:s7] =	dma.local [spmem:s13], $0x2C04  }
0x79: {  	_ =	swait.ge [sflag:s14], $0x2C04  }
0x7a: {  	[sflag:s14] =	ssyncset.done $0x0  }
0x7b: {  	[sflag:s14] =	ssyncadd.s32 $0xFFFFD3FC  }
0x7c: {  	_ =	sfence.sel $0x180000  }
0x7d: {  	[bflag:$0x0] =	sbarrier.arrive $0xFFFF  }
0x7e: {  	p0 =	sne.s32 s0, $0x0;
	_ =	strace $0x90000047  }
0x7f: {  	s0 =	sadd.s32 @!p0 $0x100000, s1;
	[bflag:$0x2] =	sbarrier.arrive $0xFFFF  }
0x80: {  	[sflag:s0] =	ssyncadd.tile.s32 @!p0 $0x1;
	_ =	shalt  }
.Lfunc_end2:
_tile_overlayer_lowered:
.L_overlay_start_2:
0x81: {  	(tag) =	ssettag $0x2  }
0x82: {  	s0 =	rddreg [dreg:$0x0];
	s2 =	stileid.u32  }
0x83: {  	s1 =	rddreg [dreg:$0x1];
	p0 =	sne.s32 s2, $0x0  }
0x84: {  	s3 =	rddreg [dreg:$0x2];
	[bflag:$0x3] =	sbarrier.arrive $0xFFFF;
	s2 =	simm.s32 @!p0 $0x1C02  }
0x85: {  	[timem:s3], [sflag:s2] =	dma.local @!p0 [hbm:s0], s1  }
0x86: {  	s0 =	simm.s32 @!p0 $0x2  }
0x87: {  	_ =	swait.ge @!p0 [sflag:s0], s1  }
0x88: {  	s1 =	ssub.s32 @!p0 $0x0, s1;
	[sflag:s0] =	ssyncset.done @!p0 $0x0  }
0x89: {  	[sflag:s0] =	ssyncadd.s32 @!p0 s1  }
0x8a: {  	[bflag:$0x3] =	sbarrier.arrive $0xFFFF  }
0x8b: {  	_ =	shalt  }

</sc_bundles>
